<compile_context>
chip_gen: v7x
topology: tpu7x:2x2x1
jax: 0.10.2.dev20260603
libtpu: 0.0.44.dev20260713+nightly
codegen_flags: <defaults>
</compile_context>

<pallas_src>
import functools
import math

import jax
import jax.numpy as jnp
from jax import lax
from jax.experimental import pallas as pl
from jax.experimental.pallas import tpu as pltpu
from jax.experimental.pallas import tpu_sc as plsc

_NC = 2
_NS = 16
_CH = 128
_GRX = 4
_GRT = 8


def _acc_plan(n):
    nacc = ((n + 1 + 7) // 8) * 8
    zrpt = (nacc // _NS) & ~7
    zrpt_last = nacc - zrpt * (_NS - 1)
    rpt = (n // _NS) & ~7
    rpt_last = n - rpt * (_NS - 1)
    return nacc, zrpt, zrpt_last, rpt, rpt_last


def _zero_acc(z_hbm, stage_v, acc, s, zrpt, zrpt_last):
    pltpu.sync_copy(z_hbm, stage_v)

    def zero_rows(zr0, nrows):
        zfull, zrem = divmod(nrows, _CH)
        for k in range(zfull):
            pltpu.sync_copy(stage_v, acc.at[pl.ds(zr0 + _CH * k, _CH)])
        if zrem:
            pltpu.sync_copy(stage_v.at[pl.ds(0, zrem)],
                            acc.at[pl.ds(zr0 + _CH * zfull, zrem)])

    @pl.when(s < _NS - 1)
    def _():
        zero_rows(s * zrpt, zrpt)

    @pl.when(s == _NS - 1)
    def _():
        zero_rows((_NS - 1) * zrpt, zrpt_last)


@functools.partial(jax.jit, static_argnames=("n", "epad", "dfh"))
def _sc_segsum_x(xr, sdb, n, epad, dfh):
    nacc, zrpt, zrpt_last, rpt, rpt_last = _acc_plan(n)
    gpt = epad // (_CH * _GRX * _NS)
    mesh = plsc.VectorSubcoreMesh(core_axis_name="c", subcore_axis_name="s")

    @functools.partial(
        pl.kernel,
        out_type=jax.ShapeDtypeStruct((_NC, n, dfh), jnp.float32),
        mesh=mesh,
        scratch_types=[
            pltpu.VMEM((2 * _GRX, _CH), jnp.int32),
            pltpu.VMEM((_CH, dfh), jnp.float32),
            pltpu.VMEM((_CH, dfh), jnp.float32),
            pltpu.VMEM((_CH, dfh), jnp.float32),
            pltpu.SemaphoreType.DMA,
            pltpu.SemaphoreType.DMA,
            pltpu.SemaphoreType.DMA,
            pltpu.SemaphoreType.DMA,
            pltpu.SemaphoreType.DMA,
            pltpu.SemaphoreType.DMA,
            pltpu.VMEM_SHARED((nacc, dfh), jnp.float32),
        ],
    )
    def sc_kernel(xr_hbm, sdb_hbm, z_hbm, s_out,
                  idx_v, b0, b1, b2, gs0, gs1, gs2, ss0, ss1, ss2,
                  acc):
        c = lax.axis_index("c")
        s = lax.axis_index("s")
        _zero_acc(z_hbm, b0, acc, s, zrpt, zrpt_last)
        plsc.subcore_barrier()

        bufs = (b0, b1, b2)
        gsems = (gs0, gs1, gs2)
        ssems = (ss0, ss1, ss2)
        nb = 3

        def gather(j, b):
            return pltpu.async_copy(xr_hbm.at[idx_v.at[j]], bufs[b],
                                    gsems[b])

        def scatter(j, b):
            return pltpu.async_copy(bufs[b], acc.at[idx_v.at[_GRX + j]],
                                    ssems[b], add=True)

        def group(g, carry):
            pltpu.sync_copy(sdb_hbm.at[c, g], idx_v)
            gd = [gather(0, 0), gather(1, 1), None]
            sd = [None] * nb
            for k in range(_GRX):
                b = k % nb
                gd[b].wait()
                sd[b] = scatter(k, b)
                nxt = k + 2
                if nxt < _GRX:
                    bn = nxt % nb
                    if k >= 1:
                        sd[bn].wait()
                    gd[bn] = gather(nxt, bn)
            for k in range(_GRX - nb, _GRX):
                sd[k % nb].wait()
            return carry

        lax.fori_loop(s * gpt, (s + 1) * gpt, group, 0)
        plsc.subcore_barrier()

        def write_rows(row0, nrows):
            pltpu.sync_copy(acc.at[pl.ds(row0, nrows)],
                            s_out.at[c, pl.ds(row0, nrows)])

        @pl.when(s < _NS - 1)
        def _():
            write_rows(s * rpt, rpt)

        @pl.when(s == _NS - 1)
        def _():
            write_rows((_NS - 1) * rpt, rpt_last)

    zeros = jnp.zeros((_CH, dfh), jnp.float32)
    return sc_kernel(xr, sdb, zeros)


@functools.partial(jax.jit, static_argnames=("n", "epad", "dfh"))
def _sc_segsum_ea(ea128, dstb, n, epad, dfh):
    nacc, zrpt, zrpt_last, rpt, rpt_last = _acc_plan(n)
    gpw = epad // (_CH * _GRT * _NS * _NC)
    mesh = plsc.VectorSubcoreMesh(core_axis_name="c", subcore_axis_name="s")

    @functools.partial(
        pl.kernel,
        out_type=jax.ShapeDtypeStruct((_NC, n, dfh), jnp.float32),
        mesh=mesh,
        scratch_types=[
            pltpu.VMEM((_GRT, _CH), jnp.int32),
            pltpu.VMEM((_CH, dfh), jnp.float32),
            pltpu.VMEM((_CH, dfh), jnp.float32),
            pltpu.SemaphoreType.DMA,
            pltpu.SemaphoreType.DMA,
            pltpu.SemaphoreType.DMA,
            pltpu.SemaphoreType.DMA,
            pltpu.VMEM_SHARED((nacc, dfh), jnp.float32),
        ],
    )
    def sc_kernel(ea_hbm, dstb_hbm, z_hbm, t_out,
                  dst_v, rows_a, rows_b, gs0, gs1, ss0, ss1, acc):
        c = lax.axis_index("c")
        s = lax.axis_index("s")
        _zero_acc(z_hbm, rows_a, acc, s, zrpt, zrpt_last)
        plsc.subcore_barrier()

        bufs = (rows_a, rows_b)
        gsems = (gs0, gs1)
        ssems = (ss0, ss1)

        def group(g, carry):
            pltpu.sync_copy(dstb_hbm.at[g], dst_v)
            e0 = g * _GRT * _CH
            gd = [None, None]
            sd = [None, None]
            gd[0] = pltpu.async_copy(ea_hbm.at[pl.ds(e0, _CH)], bufs[0],
                                     gsems[0])
            for j in range(_GRT):
                p = j % 2
                if j + 1 < _GRT:
                    if j >= 1:
                        sd[1 - p].wait()
                    gd[1 - p] = pltpu.async_copy(
                        ea_hbm.at[pl.ds(e0 + (j + 1) * _CH, _CH)],
                        bufs[1 - p], gsems[1 - p])
                gd[p].wait()
                sd[p] = pltpu.async_copy(
                    bufs[p], acc.at[dst_v.at[j]], ssems[p], add=True)
            sd[0].wait()
            sd[1].wait()
            return carry

        w = c * _NS + s
        lax.fori_loop(w * gpw, (w + 1) * gpw, group, 0)
        plsc.subcore_barrier()

        def write_rows(row0, nrows):
            pltpu.sync_copy(acc.at[pl.ds(row0, nrows)],
                            t_out.at[c, pl.ds(row0, nrows)])

        @pl.when(s < _NS - 1)
        def _():
            write_rows(s * rpt, rpt)

        @pl.when(s == _NS - 1)
        def _():
            write_rows((_NS - 1) * rpt, rpt_last)

    zeros = jnp.zeros((_CH, dfh), jnp.float32)
    return sc_kernel(ea128, dstb, zeros)


def _mm_body(s_ref, t_ref, wx0_ref, wx1_ref, we_ref, o_ref):
    acc = jnp.dot(s_ref[0], wx0_ref[...], preferred_element_type=jnp.float32)
    acc += jnp.dot(s_ref[1], wx1_ref[...], preferred_element_type=jnp.float32)
    acc += jnp.dot(t_ref[0] + t_ref[1], we_ref[...],
                   preferred_element_type=jnp.float32)
    o_ref[...] = acc


def kernel(x, edge_index, edge_attr, W):
    n, df = x.shape
    e = edge_index.shape[1]
    de = edge_attr.shape[1]
    do = W.shape[1]
    dfh = df // 2
    assert df == 2 * dfh and n % _NS == 0 and de <= dfh

    grp_x = _NS * _GRX * _CH
    grp_t = _NC * _NS * _GRT * _CH
    grp = grp_x * grp_t // math.gcd(grp_x, grp_t)
    epad = ((e + grp - 1) // grp) * grp
    pad = epad - e
    src = edge_index[0]
    dst = edge_index[1]
    if pad:
        src = jnp.concatenate([src, jnp.zeros((pad,), jnp.int32)])
        dst = jnp.concatenate([dst, jnp.full((pad,), n, jnp.int32)])
    ngrp_x = epad // (_GRX * _CH)
    srcb = (jnp.stack([2 * src, 2 * src + 1])
            .reshape(2, ngrp_x, _GRX, _CH))
    dstb_x = jnp.broadcast_to(dst.reshape(1, ngrp_x, _GRX, _CH),
                              (2, ngrp_x, _GRX, _CH))
    sdb = jnp.concatenate([srcb, dstb_x], axis=2)
    dstb_t = dst.reshape(epad // (_GRT * _CH), _GRT, _CH)

    xr = x.reshape(2 * n, dfh)
    ea128 = jnp.zeros((epad, dfh), jnp.float32).at[:e, :de].set(edge_attr)
    we128 = jnp.zeros((dfh, do), jnp.float32).at[:de].set(W[df:])

    s_acc = _sc_segsum_x(xr, sdb, n=n, epad=epad, dfh=dfh)
    t_acc = _sc_segsum_ea(ea128, dstb_t, n=n, epad=epad, dfh=dfh)

    mb = 1000
    out = pl.pallas_call(
        _mm_body,
        grid=(n // mb,),
        in_specs=[
            pl.BlockSpec((_NC, mb, dfh), lambda i: (0, i, 0)),
            pl.BlockSpec((_NC, mb, dfh), lambda i: (0, i, 0)),
            pl.BlockSpec((dfh, do), lambda i: (0, 0)),
            pl.BlockSpec((dfh, do), lambda i: (0, 0)),
            pl.BlockSpec((dfh, do), lambda i: (0, 0)),
        ],
        out_specs=pl.BlockSpec((mb, do), lambda i: (i, 0)),
        out_shape=jax.ShapeDtypeStruct((n, do), jnp.float32),
    )(s_acc, t_acc, W[:dfh], W[dfh:df], we128)
    return out

# --- scband reference (transcript-rebuilt; emitter-appended) ---
"""Pipeline reference for scband-general-edge-conv-17008070492325 (READ-ONLY COPY).

The authoritative reference and input builder live on the scoring server;
editing this copy changes nothing except your own understanding.
"""

import jax, jax.numpy as jnp
import numpy as np

N, E, D_FEAT, D_EDGE, D_OUT = 10000, 160000, 256, 16, 256

def setup_inputs(seed: int = 0) -> dict:
    key = jax.random.key(seed)
    k1, k2, k3, k4 = jax.random.split(key, 4)
    x = jax.random.normal(k1, (N, D_FEAT), dtype=jnp.float32)
    edge_index = jax.random.randint(k2, (2, E), 0, N, dtype=jnp.int32)
    edge_attr = jax.random.normal(k3, (E, D_EDGE), dtype=jnp.float32)
    # GeneralEdgeConvLayer (msg_direction='single'): Linear(dim_in + edge_dim -> dim_out, bias=False)
    W = jax.random.normal(k4, (D_FEAT + D_EDGE, D_OUT), dtype=jnp.float32) * (1.0 / np.sqrt(D_FEAT + D_EDGE))
    return {"x": x, "edge_index": edge_index, "edge_attr": edge_attr, "W": W}

def reference(x, edge_index, edge_attr, W):
    # message: x_j = concat(x[src], edge_attr); msg = linear_msg(x_j)
    # aggregate: sum of messages into destination nodes (aggr='add')
    src = edge_index[0]
    dst = edge_index[1]
    x_j = jnp.take(x, src, axis=0)                      # gather [E, D_FEAT]
    msg_in = jnp.concatenate([x_j, edge_attr], axis=-1)  # [E, D_FEAT + D_EDGE]
    msg = msg_in @ W                                    # [E, D_OUT]
    out = jax.ops.segment_sum(msg, dst, num_segments=N)  # scatter-add [N, D_OUT]
    return out

if __name__ == "__main__":
    import jax
    _d = setup_inputs()
    print(jax.jit(kernel)(*tuple(_d.values())))

</pallas_src>

<mosaic_0001>
#map = affine_map<(d0, d1) -> (0, 0)>
#map1 = affine_map<(d0, d1) -> (0, 0, 0, 0)>
#map2 = affine_map<(d0, d1) -> (0, 0, 0)>
module attributes {stable_mosaic.version = 14 : i64} {
  func.func @sc_kernel(%arg0: i32, %arg1: i32, %arg2: memref<20000x128xf32, #tpu.memory_space<hbm>>, %arg3: memref<2x320x8x128xi32, #tpu.memory_space<hbm>>, %arg4: memref<128x128xf32, #tpu.memory_space<hbm>>, %arg5: memref<2x10000x128xf32, #tpu.memory_space<hbm>>, %arg6: memref<8x128xi32, #tpu.memory_space<vmem>>, %arg7: memref<128x128xf32, #tpu.memory_space<vmem>>, %arg8: memref<128x128xf32, #tpu.memory_space<vmem>>, %arg9: memref<128x128xf32, #tpu.memory_space<vmem>>, %arg10: memref<!tpu.dma_semaphore, #tpu.memory_space<semaphore_mem>>, %arg11: memref<!tpu.dma_semaphore, #tpu.memory_space<semaphore_mem>>, %arg12: memref<!tpu.dma_semaphore, #tpu.memory_space<semaphore_mem>>, %arg13: memref<!tpu.dma_semaphore, #tpu.memory_space<semaphore_mem>>, %arg14: memref<!tpu.dma_semaphore, #tpu.memory_space<semaphore_mem>>, %arg15: memref<!tpu.dma_semaphore, #tpu.memory_space<semaphore_mem>>, %arg16: memref<10008x128xf32, #tpu.memory_space<vmem_shared>>) attributes {dimension_semantics = [#tpu.dimension_semantics<core_parallel>, #tpu.dimension_semantics<subcore_parallel>], iteration_bounds = array<i64: 2, 16>, scalar_prefetch = 0 : i64, scratch_operands = 11 : i64, tpu.core_type = #tpu.core_type<sc_vector_subcore>, window_params = [{transform_indices = #map}, {transform_indices = #map1}, {transform_indices = #map}, {transform_indices = #map2}]} {
    "tpu.region"() ({
      %run_scoped3A = tpu.sem_alloc : memref<!tpu.dma_semaphore, #tpu.memory_space<semaphore_mem>>
      tpu.enqueue_dma source(%arg4 : memref<128x128xf32, #tpu.memory_space<hbm>>) target(%arg7 : memref<128x128xf32, #tpu.memory_space<vmem>>) target_semaphore(%run_scoped3A : memref<!tpu.dma_semaphore, #tpu.memory_space<semaphore_mem>>)
      tpu.wait_dma2 semaphore(%run_scoped3A : memref<!tpu.dma_semaphore, #tpu.memory_space<semaphore_mem>>) src(%arg4 : memref<128x128xf32, #tpu.memory_space<hbm>>) dst(%arg7 : memref<128x128xf32, #tpu.memory_space<vmem>>)
      tpu.yield
    }) : () -> ()
    %lt3A = arith.constant 15 : i32
    %lt3A_0 = arith.cmpi slt, %arg1, %lt3A : i32
    %convert_element_type3A = arith.extui %lt3A_0 : i1 to i32
    %cond3A = arith.constant 0 : i32
    %cond3A_1 = arith.cmpi ne, %convert_element_type3A, %cond3A : i32
    scf.if %cond3A_1 {
      %mul3A_29 = arith.constant 624 : i32
      %mul3A_30 = arith.muli %arg1, %mul3A_29 : i32
      %add3A_31 = arith.constant 0 : i32
      %add3A_32 = arith.addi %mul3A_30, %add3A_31 : i32
      "tpu.region"() ({
        %run_scoped3A = tpu.sem_alloc : memref<!tpu.dma_semaphore, #tpu.memory_space<semaphore_mem>>
        %dma_start3A = arith.constant 0 : i32
        %dma_start3A_41 = tpu.memref_slice %arg16[%add3A_32, %dma_start3A] : memref<10008x128xf32, #tpu.memory_space<vmem_shared>> -> memref<128x128xf32, #tpu.memory_space<vmem_shared>>
        %dma_start3A_42 = arith.constant 0 : i32
        %dma_start3A_43 = tpu.memref_slice %arg16[%add3A_32, %dma_start3A_42] : memref<10008x128xf32, #tpu.memory_space<vmem_shared>> -> memref<128x128xf32, #tpu.memory_space<vmem_shared>>
        tpu.enqueue_dma source(%arg7 : memref<128x128xf32, #tpu.memory_space<vmem>>) target(%dma_start3A_43 : memref<128x128xf32, #tpu.memory_space<vmem_shared>>) target_semaphore(%run_scoped3A : memref<!tpu.dma_semaphore, #tpu.memory_space<semaphore_mem>>)
        %dma_wait3A = arith.constant 0 : i32
        %dma_wait3A_44 = tpu.memref_slice %arg16[%add3A_32, %dma_wait3A] : memref<10008x128xf32, #tpu.memory_space<vmem_shared>> -> memref<128x128xf32, #tpu.memory_space<vmem_shared>>
        %dma_wait3A_45 = arith.constant 0 : i32
        %dma_wait3A_46 = tpu.memref_slice %arg16[%add3A_32, %dma_wait3A_45] : memref<10008x128xf32, #tpu.memory_space<vmem_shared>> -> memref<128x128xf32, #tpu.memory_space<vmem_shared>>
        tpu.wait_dma2 semaphore(%run_scoped3A : memref<!tpu.dma_semaphore, #tpu.memory_space<semaphore_mem>>) src(%arg7 : memref<128x128xf32, #tpu.memory_space<vmem>>) dst(%dma_wait3A_46 : memref<128x128xf32, #tpu.memory_space<vmem_shared>>)
        tpu.yield
      }) : () -> ()
      %add3A_33 = arith.constant 128 : i32
      %add3A_34 = arith.addi %mul3A_30, %add3A_33 : i32
      "tpu.region"() ({
        %run_scoped3A = tpu.sem_alloc : memref<!tpu.dma_semaphore, #tpu.memory_space<semaphore_mem>>
        %dma_start3A = arith.constant 0 : i32
        %dma_start3A_41 = tpu.memref_slice %arg16[%add3A_34, %dma_start3A] : memref<10008x128xf32, #tpu.memory_space<vmem_shared>> -> memref<128x128xf32, #tpu.memory_space<vmem_shared>>
        %dma_start3A_42 = arith.constant 0 : i32
        %dma_start3A_43 = tpu.memref_slice %arg16[%add3A_34, %dma_start3A_42] : memref<10008x128xf32, #tpu.memory_space<vmem_shared>> -> memref<128x128xf32, #tpu.memory_space<vmem_shared>>
        tpu.enqueue_dma source(%arg7 : memref<128x128xf32, #tpu.memory_space<vmem>>) target(%dma_start3A_43 : memref<128x128xf32, #tpu.memory_space<vmem_shared>>) target_semaphore(%run_scoped3A : memref<!tpu.dma_semaphore, #tpu.memory_space<semaphore_mem>>)
        %dma_wait3A = arith.constant 0 : i32
        %dma_wait3A_44 = tpu.memref_slice %arg16[%add3A_34, %dma_wait3A] : memref<10008x128xf32, #tpu.memory_space<vmem_shared>> -> memref<128x128xf32, #tpu.memory_space<vmem_shared>>
        %dma_wait3A_45 = arith.constant 0 : i32
        %dma_wait3A_46 = tpu.memref_slice %arg16[%add3A_34, %dma_wait3A_45] : memref<10008x128xf32, #tpu.memory_space<vmem_shared>> -> memref<128x128xf32, #tpu.memory_space<vmem_shared>>
        tpu.wait_dma2 semaphore(%run_scoped3A : memref<!tpu.dma_semaphore, #tpu.memory_space<semaphore_mem>>) src(%arg7 : memref<128x128xf32, #tpu.memory_space<vmem>>) dst(%dma_wait3A_46 : memref<128x128xf32, #tpu.memory_space<vmem_shared>>)
        tpu.yield
      }) : () -> ()
      %add3A_35 = arith.constant 256 : i32
      %add3A_36 = arith.addi %mul3A_30, %add3A_35 : i32
      "tpu.region"() ({
        %run_scoped3A = tpu.sem_alloc : memref<!tpu.dma_semaphore, #tpu.memory_space<semaphore_mem>>
        %dma_start3A = arith.constant 0 : i32
        %dma_start3A_41 = tpu.memref_slice %arg16[%add3A_36, %dma_start3A] : memref<10008x128xf32, #tpu.memory_space<vmem_shared>> -> memref<128x128xf32, #tpu.memory_space<vmem_shared>>
        %dma_start3A_42 = arith.constant 0 : i32
        %dma_start3A_43 = tpu.memref_slice %arg16[%add3A_36, %dma_start3A_42] : memref<10008x128xf32, #tpu.memory_space<vmem_shared>> -> memref<128x128xf32, #tpu.memory_space<vmem_shared>>
        tpu.enqueue_dma source(%arg7 : memref<128x128xf32, #tpu.memory_space<vmem>>) target(%dma_start3A_43 : memref<128x128xf32, #tpu.memory_space<vmem_shared>>) target_semaphore(%run_scoped3A : memref<!tpu.dma_semaphore, #tpu.memory_space<semaphore_mem>>)
        %dma_wait3A = arith.constant 0 : i32
        %dma_wait3A_44 = tpu.memref_slice %arg16[%add3A_36, %dma_wait3A] : memref<10008x128xf32, #tpu.memory_space<vmem_shared>> -> memref<128x128xf32, #tpu.memory_space<vmem_shared>>
        %dma_wait3A_45 = arith.constant 0 : i32
        %dma_wait3A_46 = tpu.memref_slice %arg16[%add3A_36, %dma_wait3A_45] : memref<10008x128xf32, #tpu.memory_space<vmem_shared>> -> memref<128x128xf32, #tpu.memory_space<vmem_shared>>
        tpu.wait_dma2 semaphore(%run_scoped3A : memref<!tpu.dma_semaphore, #tpu.memory_space<semaphore_mem>>) src(%arg7 : memref<128x128xf32, #tpu.memory_space<vmem>>) dst(%dma_wait3A_46 : memref<128x128xf32, #tpu.memory_space<vmem_shared>>)
        tpu.yield
      }) : () -> ()
      %add3A_37 = arith.constant 384 : i32
      %add3A_38 = arith.addi %mul3A_30, %add3A_37 : i32
      "tpu.region"() ({
        %run_scoped3A = tpu.sem_alloc : memref<!tpu.dma_semaphore, #tpu.memory_space<semaphore_mem>>
        %dma_start3A = arith.constant 0 : i32
        %dma_start3A_41 = tpu.memref_slice %arg16[%add3A_38, %dma_start3A] : memref<10008x128xf32, #tpu.memory_space<vmem_shared>> -> memref<128x128xf32, #tpu.memory_space<vmem_shared>>
        %dma_start3A_42 = arith.constant 0 : i32
        %dma_start3A_43 = tpu.memref_slice %arg16[%add3A_38, %dma_start3A_42] : memref<10008x128xf32, #tpu.memory_space<vmem_shared>> -> memref<128x128xf32, #tpu.memory_space<vmem_shared>>
        tpu.enqueue_dma source(%arg7 : memref<128x128xf32, #tpu.memory_space<vmem>>) target(%dma_start3A_43 : memref<128x128xf32, #tpu.memory_space<vmem_shared>>) target_semaphore(%run_scoped3A : memref<!tpu.dma_semaphore, #tpu.memory_space<semaphore_mem>>)
        %dma_wait3A = arith.constant 0 : i32
        %dma_wait3A_44 = tpu.memref_slice %arg16[%add3A_38, %dma_wait3A] : memref<10008x128xf32, #tpu.memory_space<vmem_shared>> -> memref<128x128xf32, #tpu.memory_space<vmem_shared>>
        %dma_wait3A_45 = arith.constant 0 : i32
        %dma_wait3A_46 = tpu.memref_slice %arg16[%add3A_38, %dma_wait3A_45] : memref<10008x128xf32, #tpu.memory_space<vmem_shared>> -> memref<128x128xf32, #tpu.memory_space<vmem_shared>>
        tpu.wait_dma2 semaphore(%run_scoped3A : memref<!tpu.dma_semaphore, #tpu.memory_space<semaphore_mem>>) src(%arg7 : memref<128x128xf32, #tpu.memory_space<vmem>>) dst(%dma_wait3A_46 : memref<128x128xf32, #tpu.memory_space<vmem_shared>>)
        tpu.yield
      }) : () -> ()
      %add3A_39 = arith.constant 512 : i32
      %add3A_40 = arith.addi %mul3A_30, %add3A_39 : i32
      "tpu.region"() ({
        %run_scoped3A = tpu.sem_alloc : memref<!tpu.dma_semaphore, #tpu.memory_space<semaphore_mem>>
        %dma_start3A = arith.constant 0 : i32
        %dma_start3A_41 = arith.constant 0 : i32
        %dma_start3A_42 = tpu.memref_slice %arg7[%dma_start3A, %dma_start3A_41] : memref<128x128xf32, #tpu.memory_space<vmem>> -> memref<112x128xf32, #tpu.memory_space<vmem>>
        %dma_start3A_43 = arith.constant 0 : i32
        %dma_start3A_44 = tpu.memref_slice %arg16[%add3A_40, %dma_start3A_43] : memref<10008x128xf32, #tpu.memory_space<vmem_shared>> -> memref<112x128xf32, #tpu.memory_space<vmem_shared>>
        %dma_start3A_45 = arith.constant 0 : i32
        %dma_start3A_46 = tpu.memref_slice %arg16[%add3A_40, %dma_start3A_45] : memref<10008x128xf32, #tpu.memory_space<vmem_shared>> -> memref<112x128xf32, #tpu.memory_space<vmem_shared>>
        %dma_start3A_47 = arith.constant 0 : i32
        %dma_start3A_48 = arith.constant 0 : i32
        %dma_start3A_49 = tpu.memref_slice %arg7[%dma_start3A_47, %dma_start3A_48] : memref<128x128xf32, #tpu.memory_space<vmem>> -> memref<112x128xf32, #tpu.memory_space<vmem>>
        tpu.enqueue_dma source(%dma_start3A_49 : memref<112x128xf32, #tpu.memory_space<vmem>>) target(%dma_start3A_46 : memref<112x128xf32, #tpu.memory_space<vmem_shared>>) target_semaphore(%run_scoped3A : memref<!tpu.dma_semaphore, #tpu.memory_space<semaphore_mem>>)
        %dma_wait3A = arith.constant 0 : i32
        %dma_wait3A_50 = arith.constant 0 : i32
        %dma_wait3A_51 = tpu.memref_slice %arg7[%dma_wait3A, %dma_wait3A_50] : memref<128x128xf32, #tpu.memory_space<vmem>> -> memref<112x128xf32, #tpu.memory_space<vmem>>
        %dma_wait3A_52 = arith.constant 0 : i32
        %dma_wait3A_53 = tpu.memref_slice %arg16[%add3A_40, %dma_wait3A_52] : memref<10008x128xf32, #tpu.memory_space<vmem_shared>> -> memref<112x128xf32, #tpu.memory_space<vmem_shared>>
        %dma_wait3A_54 = arith.constant 0 : i32
        %dma_wait3A_55 = tpu.memref_slice %arg16[%add3A_40, %dma_wait3A_54] : memref<10008x128xf32, #tpu.memory_space<vmem_shared>> -> memref<112x128xf32, #tpu.memory_space<vmem_shared>>
        %dma_wait3A_56 = arith.constant 0 : i32
        %dma_wait3A_57 = arith.constant 0 : i32
        %dma_wait3A_58 = tpu.memref_slice %arg7[%dma_wait3A_56, %dma_wait3A_57] : memref<128x128xf32, #tpu.memory_space<vmem>> -> memref<112x128xf32, #tpu.memory_space<vmem>>
        tpu.wait_dma2 semaphore(%run_scoped3A : memref<!tpu.dma_semaphore, #tpu.memory_space<semaphore_mem>>) src(%dma_wait3A_58 : memref<112x128xf32, #tpu.memory_space<vmem>>) dst(%dma_wait3A_55 : memref<112x128xf32, #tpu.memory_space<vmem_shared>>)
        tpu.yield
      }) : () -> ()
    } else {
    }
    %eq3A = arith.constant 15 : i32
    %eq3A_2 = arith.cmpi eq, %arg1, %eq3A : i32
    %convert_element_type3A_3 = arith.extui %eq3A_2 : i1 to i32
    %cond3A_4 = arith.constant 0 : i32
    %cond3A_5 = arith.cmpi ne, %convert_element_type3A_3, %cond3A_4 : i32
    scf.if %cond3A_5 {
      "tpu.region"() ({
        %run_scoped3A = tpu.sem_alloc : memref<!tpu.dma_semaphore, #tpu.memory_space<semaphore_mem>>
        %dma_start3A = arith.constant 9360 : i32
        %dma_start3A_29 = arith.constant 0 : i32
        %dma_start3A_30 = tpu.memref_slice %arg16[%dma_start3A, %dma_start3A_29] : memref<10008x128xf32, #tpu.memory_space<vmem_shared>> -> memref<128x128xf32, #tpu.memory_space<vmem_shared>>
        %dma_start3A_31 = arith.constant 9360 : i32
        %dma_start3A_32 = arith.constant 0 : i32
        %dma_start3A_33 = tpu.memref_slice %arg16[%dma_start3A_31, %dma_start3A_32] : memref<10008x128xf32, #tpu.memory_space<vmem_shared>> -> memref<128x128xf32, #tpu.memory_space<vmem_shared>>
        tpu.enqueue_dma source(%arg7 : memref<128x128xf32, #tpu.memory_space<vmem>>) target(%dma_start3A_33 : memref<128x128xf32, #tpu.memory_space<vmem_shared>>) target_semaphore(%run_scoped3A : memref<!tpu.dma_semaphore, #tpu.memory_space<semaphore_mem>>)
        %dma_wait3A = arith.constant 9360 : i32
        %dma_wait3A_34 = arith.constant 0 : i32
        %dma_wait3A_35 = tpu.memref_slice %arg16[%dma_wait3A, %dma_wait3A_34] : memref<10008x128xf32, #tpu.memory_space<vmem_shared>> -> memref<128x128xf32, #tpu.memory_space<vmem_shared>>
        %dma_wait3A_36 = arith.constant 9360 : i32
        %dma_wait3A_37 = arith.constant 0 : i32
        %dma_wait3A_38 = tpu.memref_slice %arg16[%dma_wait3A_36, %dma_wait3A_37] : memref<10008x128xf32, #tpu.memory_space<vmem_shared>> -> memref<128x128xf32, #tpu.memory_space<vmem_shared>>
        tpu.wait_dma2 semaphore(%run_scoped3A : memref<!tpu.dma_semaphore, #tpu.memory_space<semaphore_mem>>) src(%arg7 : memref<128x128xf32, #tpu.memory_space<vmem>>) dst(%dma_wait3A_38 : memref<128x128xf32, #tpu.memory_space<vmem_shared>>)
        tpu.yield
      }) : () -> ()
      "tpu.region"() ({
        %run_scoped3A = tpu.sem_alloc : memref<!tpu.dma_semaphore, #tpu.memory_space<semaphore_mem>>
        %dma_start3A = arith.constant 9488 : i32
        %dma_start3A_29 = arith.constant 0 : i32
        %dma_start3A_30 = tpu.memref_slice %arg16[%dma_start3A, %dma_start3A_29] : memref<10008x128xf32, #tpu.memory_space<vmem_shared>> -> memref<128x128xf32, #tpu.memory_space<vmem_shared>>
        %dma_start3A_31 = arith.constant 9488 : i32
        %dma_start3A_32 = arith.constant 0 : i32
        %dma_start3A_33 = tpu.memref_slice %arg16[%dma_start3A_31, %dma_start3A_32] : memref<10008x128xf32, #tpu.memory_space<vmem_shared>> -> memref<128x128xf32, #tpu.memory_space<vmem_shared>>
        tpu.enqueue_dma source(%arg7 : memref<128x128xf32, #tpu.memory_space<vmem>>) target(%dma_start3A_33 : memref<128x128xf32, #tpu.memory_space<vmem_shared>>) target_semaphore(%run_scoped3A : memref<!tpu.dma_semaphore, #tpu.memory_space<semaphore_mem>>)
        %dma_wait3A = arith.constant 9488 : i32
        %dma_wait3A_34 = arith.constant 0 : i32
        %dma_wait3A_35 = tpu.memref_slice %arg16[%dma_wait3A, %dma_wait3A_34] : memref<10008x128xf32, #tpu.memory_space<vmem_shared>> -> memref<128x128xf32, #tpu.memory_space<vmem_shared>>
        %dma_wait3A_36 = arith.constant 9488 : i32
        %dma_wait3A_37 = arith.constant 0 : i32
        %dma_wait3A_38 = tpu.memref_slice %arg16[%dma_wait3A_36, %dma_wait3A_37] : memref<10008x128xf32, #tpu.memory_space<vmem_shared>> -> memref<128x128xf32, #tpu.memory_space<vmem_shared>>
        tpu.wait_dma2 semaphore(%run_scoped3A : memref<!tpu.dma_semaphore, #tpu.memory_space<semaphore_mem>>) src(%arg7 : memref<128x128xf32, #tpu.memory_space<vmem>>) dst(%dma_wait3A_38 : memref<128x128xf32, #tpu.memory_space<vmem_shared>>)
        tpu.yield
      }) : () -> ()
      "tpu.region"() ({
        %run_scoped3A = tpu.sem_alloc : memref<!tpu.dma_semaphore, #tpu.memory_space<semaphore_mem>>
        %dma_start3A = arith.constant 9616 : i32
        %dma_start3A_29 = arith.constant 0 : i32
        %dma_start3A_30 = tpu.memref_slice %arg16[%dma_start3A, %dma_start3A_29] : memref<10008x128xf32, #tpu.memory_space<vmem_shared>> -> memref<128x128xf32, #tpu.memory_space<vmem_shared>>
        %dma_start3A_31 = arith.constant 9616 : i32
        %dma_start3A_32 = arith.constant 0 : i32
        %dma_start3A_33 = tpu.memref_slice %arg16[%dma_start3A_31, %dma_start3A_32] : memref<10008x128xf32, #tpu.memory_space<vmem_shared>> -> memref<128x128xf32, #tpu.memory_space<vmem_shared>>
        tpu.enqueue_dma source(%arg7 : memref<128x128xf32, #tpu.memory_space<vmem>>) target(%dma_start3A_33 : memref<128x128xf32, #tpu.memory_space<vmem_shared>>) target_semaphore(%run_scoped3A : memref<!tpu.dma_semaphore, #tpu.memory_space<semaphore_mem>>)
        %dma_wait3A = arith.constant 9616 : i32
        %dma_wait3A_34 = arith.constant 0 : i32
        %dma_wait3A_35 = tpu.memref_slice %arg16[%dma_wait3A, %dma_wait3A_34] : memref<10008x128xf32, #tpu.memory_space<vmem_shared>> -> memref<128x128xf32, #tpu.memory_space<vmem_shared>>
        %dma_wait3A_36 = arith.constant 9616 : i32
        %dma_wait3A_37 = arith.constant 0 : i32
        %dma_wait3A_38 = tpu.memref_slice %arg16[%dma_wait3A_36, %dma_wait3A_37] : memref<10008x128xf32, #tpu.memory_space<vmem_shared>> -> memref<128x128xf32, #tpu.memory_space<vmem_shared>>
        tpu.wait_dma2 semaphore(%run_scoped3A : memref<!tpu.dma_semaphore, #tpu.memory_space<semaphore_mem>>) src(%arg7 : memref<128x128xf32, #tpu.memory_space<vmem>>) dst(%dma_wait3A_38 : memref<128x128xf32, #tpu.memory_space<vmem_shared>>)
        tpu.yield
      }) : () -> ()
      "tpu.region"() ({
        %run_scoped3A = tpu.sem_alloc : memref<!tpu.dma_semaphore, #tpu.memory_space<semaphore_mem>>
        %dma_start3A = arith.constant 9744 : i32
        %dma_start3A_29 = arith.constant 0 : i32
        %dma_start3A_30 = tpu.memref_slice %arg16[%dma_start3A, %dma_start3A_29] : memref<10008x128xf32, #tpu.memory_space<vmem_shared>> -> memref<128x128xf32, #tpu.memory_space<vmem_shared>>
        %dma_start3A_31 = arith.constant 9744 : i32
        %dma_start3A_32 = arith.constant 0 : i32
        %dma_start3A_33 = tpu.memref_slice %arg16[%dma_start3A_31, %dma_start3A_32] : memref<10008x128xf32, #tpu.memory_space<vmem_shared>> -> memref<128x128xf32, #tpu.memory_space<vmem_shared>>
        tpu.enqueue_dma source(%arg7 : memref<128x128xf32, #tpu.memory_space<vmem>>) target(%dma_start3A_33 : memref<128x128xf32, #tpu.memory_space<vmem_shared>>) target_semaphore(%run_scoped3A : memref<!tpu.dma_semaphore, #tpu.memory_space<semaphore_mem>>)
        %dma_wait3A = arith.constant 9744 : i32
        %dma_wait3A_34 = arith.constant 0 : i32
        %dma_wait3A_35 = tpu.memref_slice %arg16[%dma_wait3A, %dma_wait3A_34] : memref<10008x128xf32, #tpu.memory_space<vmem_shared>> -> memref<128x128xf32, #tpu.memory_space<vmem_shared>>
        %dma_wait3A_36 = arith.constant 9744 : i32
        %dma_wait3A_37 = arith.constant 0 : i32
        %dma_wait3A_38 = tpu.memref_slice %arg16[%dma_wait3A_36, %dma_wait3A_37] : memref<10008x128xf32, #tpu.memory_space<vmem_shared>> -> memref<128x128xf32, #tpu.memory_space<vmem_shared>>
        tpu.wait_dma2 semaphore(%run_scoped3A : memref<!tpu.dma_semaphore, #tpu.memory_space<semaphore_mem>>) src(%arg7 : memref<128x128xf32, #tpu.memory_space<vmem>>) dst(%dma_wait3A_38 : memref<128x128xf32, #tpu.memory_space<vmem_shared>>)
        tpu.yield
      }) : () -> ()
      "tpu.region"() ({
        %run_scoped3A = tpu.sem_alloc : memref<!tpu.dma_semaphore, #tpu.memory_space<semaphore_mem>>
        %dma_start3A = arith.constant 9872 : i32
        %dma_start3A_29 = arith.constant 0 : i32
        %dma_start3A_30 = tpu.memref_slice %arg16[%dma_start3A, %dma_start3A_29] : memref<10008x128xf32, #tpu.memory_space<vmem_shared>> -> memref<128x128xf32, #tpu.memory_space<vmem_shared>>
        %dma_start3A_31 = arith.constant 9872 : i32
        %dma_start3A_32 = arith.constant 0 : i32
        %dma_start3A_33 = tpu.memref_slice %arg16[%dma_start3A_31, %dma_start3A_32] : memref<10008x128xf32, #tpu.memory_space<vmem_shared>> -> memref<128x128xf32, #tpu.memory_space<vmem_shared>>
        tpu.enqueue_dma source(%arg7 : memref<128x128xf32, #tpu.memory_space<vmem>>) target(%dma_start3A_33 : memref<128x128xf32, #tpu.memory_space<vmem_shared>>) target_semaphore(%run_scoped3A : memref<!tpu.dma_semaphore, #tpu.memory_space<semaphore_mem>>)
        %dma_wait3A = arith.constant 9872 : i32
        %dma_wait3A_34 = arith.constant 0 : i32
        %dma_wait3A_35 = tpu.memref_slice %arg16[%dma_wait3A, %dma_wait3A_34] : memref<10008x128xf32, #tpu.memory_space<vmem_shared>> -> memref<128x128xf32, #tpu.memory_space<vmem_shared>>
        %dma_wait3A_36 = arith.constant 9872 : i32
        %dma_wait3A_37 = arith.constant 0 : i32
        %dma_wait3A_38 = tpu.memref_slice %arg16[%dma_wait3A_36, %dma_wait3A_37] : memref<10008x128xf32, #tpu.memory_space<vmem_shared>> -> memref<128x128xf32, #tpu.memory_space<vmem_shared>>
        tpu.wait_dma2 semaphore(%run_scoped3A : memref<!tpu.dma_semaphore, #tpu.memory_space<semaphore_mem>>) src(%arg7 : memref<128x128xf32, #tpu.memory_space<vmem>>) dst(%dma_wait3A_38 : memref<128x128xf32, #tpu.memory_space<vmem_shared>>)
        tpu.yield
      }) : () -> ()
      "tpu.region"() ({
        %run_scoped3A = tpu.sem_alloc : memref<!tpu.dma_semaphore, #tpu.memory_space<semaphore_mem>>
        %dma_start3A = arith.constant 0 : i32
        %dma_start3A_29 = arith.constant 0 : i32
        %dma_start3A_30 = tpu.memref_slice %arg7[%dma_start3A, %dma_start3A_29] : memref<128x128xf32, #tpu.memory_space<vmem>> -> memref<8x128xf32, #tpu.memory_space<vmem>>
        %dma_start3A_31 = arith.constant 10000 : i32
        %dma_start3A_32 = arith.constant 0 : i32
        %dma_start3A_33 = tpu.memref_slice %arg16[%dma_start3A_31, %dma_start3A_32] : memref<10008x128xf32, #tpu.memory_space<vmem_shared>> -> memref<8x128xf32, #tpu.memory_space<vmem_shared>>
        %dma_start3A_34 = arith.constant 10000 : i32
        %dma_start3A_35 = arith.constant 0 : i32
        %dma_start3A_36 = tpu.memref_slice %arg16[%dma_start3A_34, %dma_start3A_35] : memref<10008x128xf32, #tpu.memory_space<vmem_shared>> -> memref<8x128xf32, #tpu.memory_space<vmem_shared>>
        %dma_start3A_37 = arith.constant 0 : i32
        %dma_start3A_38 = arith.constant 0 : i32
        %dma_start3A_39 = tpu.memref_slice %arg7[%dma_start3A_37, %dma_start3A_38] : memref<128x128xf32, #tpu.memory_space<vmem>> -> memref<8x128xf32, #tpu.memory_space<vmem>>
        tpu.enqueue_dma source(%dma_start3A_39 : memref<8x128xf32, #tpu.memory_space<vmem>>) target(%dma_start3A_36 : memref<8x128xf32, #tpu.memory_space<vmem_shared>>) target_semaphore(%run_scoped3A : memref<!tpu.dma_semaphore, #tpu.memory_space<semaphore_mem>>)
        %dma_wait3A = arith.constant 0 : i32
        %dma_wait3A_40 = arith.constant 0 : i32
        %dma_wait3A_41 = tpu.memref_slice %arg7[%dma_wait3A, %dma_wait3A_40] : memref<128x128xf32, #tpu.memory_space<vmem>> -> memref<8x128xf32, #tpu.memory_space<vmem>>
        %dma_wait3A_42 = arith.constant 10000 : i32
        %dma_wait3A_43 = arith.constant 0 : i32
        %dma_wait3A_44 = tpu.memref_slice %arg16[%dma_wait3A_42, %dma_wait3A_43] : memref<10008x128xf32, #tpu.memory_space<vmem_shared>> -> memref<8x128xf32, #tpu.memory_space<vmem_shared>>
        %dma_wait3A_45 = arith.constant 10000 : i32
        %dma_wait3A_46 = arith.constant 0 : i32
        %dma_wait3A_47 = tpu.memref_slice %arg16[%dma_wait3A_45, %dma_wait3A_46] : memref<10008x128xf32, #tpu.memory_space<vmem_shared>> -> memref<8x128xf32, #tpu.memory_space<vmem_shared>>
        %dma_wait3A_48 = arith.constant 0 : i32
        %dma_wait3A_49 = arith.constant 0 : i32
        %dma_wait3A_50 = tpu.memref_slice %arg7[%dma_wait3A_48, %dma_wait3A_49] : memref<128x128xf32, #tpu.memory_space<vmem>> -> memref<8x128xf32, #tpu.memory_space<vmem>>
        tpu.wait_dma2 semaphore(%run_scoped3A : memref<!tpu.dma_semaphore, #tpu.memory_space<semaphore_mem>>) src(%dma_wait3A_50 : memref<8x128xf32, #tpu.memory_space<vmem>>) dst(%dma_wait3A_47 : memref<8x128xf32, #tpu.memory_space<vmem_shared>>)
        tpu.yield
      }) : () -> ()
    } else {
    }
    %barrier3A = arith.constant 0 : index
    tpu.barrier barrier_id(%barrier3A)
    %mul3A = arith.constant 20 : i32
    %mul3A_6 = arith.muli %arg1, %mul3A : i32
    %add3A = arith.constant 1 : i32
    %add3A_7 = arith.addi %arg1, %add3A : i32
    %mul3A_8 = arith.constant 20 : i32
    %mul3A_9 = arith.muli %add3A_7, %mul3A_8 : i32
    %while3A = arith.constant 0 : i32
    %while3A_10 = arith.subi %mul3A_9, %mul3A_6 : i32
    %while3A_11 = arith.addi %mul3A_6, %while3A_10 : i32
    %while3A_12 = arith.constant 1 : i32
    %while3A_13 = arith.divsi %while3A_10, %while3A_12 : i32
    %while3A_14 = arith.muli %while3A_13, %while3A_12 : i32
    %while3A_15 = arith.addi %mul3A_6, %while3A_14 : i32
    %while3A_16 = arith.constant 1 : i32
    scf.for %while3A_29 = %mul3A_6 to %while3A_15 step %while3A_16  : i32 {
      "tpu.region"() ({
        %run_scoped3A = tpu.sem_alloc : memref<!tpu.dma_semaphore, #tpu.memory_space<semaphore_mem>>
        %dma_start3A_140 = arith.constant 0 : i32
        %dma_start3A_141 = arith.constant 0 : i32
        %dma_start3A_142 = tpu.memref_slice %arg3[%arg0, %while3A_29, %dma_start3A_140, %dma_start3A_141] : memref<2x320x8x128xi32, #tpu.memory_space<hbm>> -> memref<1x1x8x128xi32, #tpu.memory_space<hbm>>
        %dma_start3A_143 = tpu.memref_squeeze %dma_start3A_142 : memref<1x1x8x128xi32, #tpu.memory_space<hbm>> -> memref<8x128xi32, #tpu.memory_space<hbm>>
        %dma_start3A_144 = arith.constant 0 : i32
        %dma_start3A_145 = arith.constant 0 : i32
        %dma_start3A_146 = tpu.memref_slice %arg3[%arg0, %while3A_29, %dma_start3A_144, %dma_start3A_145] : memref<2x320x8x128xi32, #tpu.memory_space<hbm>> -> memref<1x1x8x128xi32, #tpu.memory_space<hbm>>
        %dma_start3A_147 = tpu.memref_squeeze %dma_start3A_146 : memref<1x1x8x128xi32, #tpu.memory_space<hbm>> -> memref<8x128xi32, #tpu.memory_space<hbm>>
        tpu.enqueue_dma source(%dma_start3A_147 : memref<8x128xi32, #tpu.memory_space<hbm>>) target(%arg6 : memref<8x128xi32, #tpu.memory_space<vmem>>) target_semaphore(%run_scoped3A : memref<!tpu.dma_semaphore, #tpu.memory_space<semaphore_mem>>)
        %dma_wait3A_148 = arith.constant 0 : i32
        %dma_wait3A_149 = arith.constant 0 : i32
        %dma_wait3A_150 = tpu.memref_slice %arg3[%arg0, %while3A_29, %dma_wait3A_148, %dma_wait3A_149] : memref<2x320x8x128xi32, #tpu.memory_space<hbm>> -> memref<1x1x8x128xi32, #tpu.memory_space<hbm>>
        %dma_wait3A_151 = tpu.memref_squeeze %dma_wait3A_150 : memref<1x1x8x128xi32, #tpu.memory_space<hbm>> -> memref<8x128xi32, #tpu.memory_space<hbm>>
        %dma_wait3A_152 = arith.constant 0 : i32
        %dma_wait3A_153 = arith.constant 0 : i32
        %dma_wait3A_154 = tpu.memref_slice %arg3[%arg0, %while3A_29, %dma_wait3A_152, %dma_wait3A_153] : memref<2x320x8x128xi32, #tpu.memory_space<hbm>> -> memref<1x1x8x128xi32, #tpu.memory_space<hbm>>
        %dma_wait3A_155 = tpu.memref_squeeze %dma_wait3A_154 : memref<1x1x8x128xi32, #tpu.memory_space<hbm>> -> memref<8x128xi32, #tpu.memory_space<hbm>>
        tpu.wait_dma2 semaphore(%run_scoped3A : memref<!tpu.dma_semaphore, #tpu.memory_space<semaphore_mem>>) src(%dma_wait3A_155 : memref<8x128xi32, #tpu.memory_space<hbm>>) dst(%arg6 : memref<8x128xi32, #tpu.memory_space<vmem>>)
        tpu.yield
      }) : () -> ()
      %dma_start3A = arith.constant 0 : i32
      %dma_start3A_30 = arith.constant 0 : i32
      %dma_start3A_31 = tpu.memref_slice %arg6[%dma_start3A, %dma_start3A_30] : memref<8x128xi32, #tpu.memory_space<vmem>> -> memref<1x128xi32, #tpu.memory_space<vmem>>
      %dma_start3A_32 = tpu.memref_squeeze %dma_start3A_31 : memref<1x128xi32, #tpu.memory_space<vmem>> -> memref<128xi32, #tpu.memory_space<vmem>>
      %dma_start3A_33 = arith.constant 0 : i32
      %dma_start3A_34 = arith.constant 0 : i32
      %dma_start3A_35 = tpu.memref_slice %arg2[%dma_start3A_33, %dma_start3A_34] : memref<20000x128xf32, #tpu.memory_space<hbm>> -> memref<20000x128xf32, #tpu.memory_space<hbm>>
      tpu.enqueue_indirect_dma source(%dma_start3A_35 : memref<20000x128xf32, #tpu.memory_space<hbm>>) target(%arg7 : memref<128x128xf32, #tpu.memory_space<vmem>>) offsets(%dma_start3A_32 : memref<128xi32, #tpu.memory_space<vmem>>) semaphore(%arg10 : memref<!tpu.dma_semaphore, #tpu.memory_space<semaphore_mem>>)
      %dma_start3A_36 = arith.constant 1 : i32
      %dma_start3A_37 = arith.constant 0 : i32
      %dma_start3A_38 = tpu.memref_slice %arg6[%dma_start3A_36, %dma_start3A_37] : memref<8x128xi32, #tpu.memory_space<vmem>> -> memref<1x128xi32, #tpu.memory_space<vmem>>
      %dma_start3A_39 = tpu.memref_squeeze %dma_start3A_38 : memref<1x128xi32, #tpu.memory_space<vmem>> -> memref<128xi32, #tpu.memory_space<vmem>>
      %dma_start3A_40 = arith.constant 0 : i32
      %dma_start3A_41 = arith.constant 0 : i32
      %dma_start3A_42 = tpu.memref_slice %arg2[%dma_start3A_40, %dma_start3A_41] : memref<20000x128xf32, #tpu.memory_space<hbm>> -> memref<20000x128xf32, #tpu.memory_space<hbm>>
      tpu.enqueue_indirect_dma source(%dma_start3A_42 : memref<20000x128xf32, #tpu.memory_space<hbm>>) target(%arg8 : memref<128x128xf32, #tpu.memory_space<vmem>>) offsets(%dma_start3A_39 : memref<128xi32, #tpu.memory_space<vmem>>) semaphore(%arg11 : memref<!tpu.dma_semaphore, #tpu.memory_space<semaphore_mem>>)
      %dma_wait3A = arith.constant 0 : i32
      %dma_wait3A_43 = arith.constant 0 : i32
      %dma_wait3A_44 = tpu.memref_slice %arg6[%dma_wait3A, %dma_wait3A_43] : memref<8x128xi32, #tpu.memory_space<vmem>> -> memref<1x128xi32, #tpu.memory_space<vmem>>
      %dma_wait3A_45 = tpu.memref_squeeze %dma_wait3A_44 : memref<1x128xi32, #tpu.memory_space<vmem>> -> memref<128xi32, #tpu.memory_space<vmem>>
      %dma_wait3A_46 = arith.constant 0 : i32
      %dma_wait3A_47 = arith.constant 0 : i32
      %dma_wait3A_48 = tpu.memref_slice %arg2[%dma_wait3A_46, %dma_wait3A_47] : memref<20000x128xf32, #tpu.memory_space<hbm>> -> memref<20000x128xf32, #tpu.memory_space<hbm>>
      tpu.wait_indirect_dma semaphore(%arg10 : memref<!tpu.dma_semaphore, #tpu.memory_space<semaphore_mem>>) src(%dma_wait3A_48 : memref<20000x128xf32, #tpu.memory_space<hbm>>) dst(%arg7 : memref<128x128xf32, #tpu.memory_space<vmem>>)
      %dma_start3A_49 = arith.constant 4 : i32
      %dma_start3A_50 = arith.constant 0 : i32
      %dma_start3A_51 = tpu.memref_slice %arg6[%dma_start3A_49, %dma_start3A_50] : memref<8x128xi32, #tpu.memory_space<vmem>> -> memref<1x128xi32, #tpu.memory_space<vmem>>
      %dma_start3A_52 = tpu.memref_squeeze %dma_start3A_51 : memref<1x128xi32, #tpu.memory_space<vmem>> -> memref<128xi32, #tpu.memory_space<vmem>>
      %dma_start3A_53 = arith.constant 0 : i32
      %dma_start3A_54 = arith.constant 0 : i32
      %dma_start3A_55 = tpu.memref_slice %arg16[%dma_start3A_53, %dma_start3A_54] : memref<10008x128xf32, #tpu.memory_space<vmem_shared>> -> memref<10008x128xf32, #tpu.memory_space<vmem_shared>>
      tpu.enqueue_indirect_dma source(%arg7 : memref<128x128xf32, #tpu.memory_space<vmem>>) target(%dma_start3A_55 : memref<10008x128xf32, #tpu.memory_space<vmem_shared>>) offsets(%dma_start3A_52 : memref<128xi32, #tpu.memory_space<vmem>>) semaphore(%arg13 : memref<!tpu.dma_semaphore, #tpu.memory_space<semaphore_mem>>) {add = true}
      %dma_start3A_56 = arith.constant 2 : i32
      %dma_start3A_57 = arith.constant 0 : i32
      %dma_start3A_58 = tpu.memref_slice %arg6[%dma_start3A_56, %dma_start3A_57] : memref<8x128xi32, #tpu.memory_space<vmem>> -> memref<1x128xi32, #tpu.memory_space<vmem>>
      %dma_start3A_59 = tpu.memref_squeeze %dma_start3A_58 : memref<1x128xi32, #tpu.memory_space<vmem>> -> memref<128xi32, #tpu.memory_space<vmem>>
      %dma_start3A_60 = arith.constant 0 : i32
      %dma_start3A_61 = arith.constant 0 : i32
      %dma_start3A_62 = tpu.memref_slice %arg2[%dma_start3A_60, %dma_start3A_61] : memref<20000x128xf32, #tpu.memory_space<hbm>> -> memref<20000x128xf32, #tpu.memory_space<hbm>>
      tpu.enqueue_indirect_dma source(%dma_start3A_62 : memref<20000x128xf32, #tpu.memory_space<hbm>>) target(%arg9 : memref<128x128xf32, #tpu.memory_space<vmem>>) offsets(%dma_start3A_59 : memref<128xi32, #tpu.memory_space<vmem>>) semaphore(%arg12 : memref<!tpu.dma_semaphore, #tpu.memory_space<semaphore_mem>>)
      %dma_wait3A_63 = arith.constant 1 : i32
      %dma_wait3A_64 = arith.constant 0 : i32
      %dma_wait3A_65 = tpu.memref_slice %arg6[%dma_wait3A_63, %dma_wait3A_64] : memref<8x128xi32, #tpu.memory_space<vmem>> -> memref<1x128xi32, #tpu.memory_space<vmem>>
      %dma_wait3A_66 = tpu.memref_squeeze %dma_wait3A_65 : memref<1x128xi32, #tpu.memory_space<vmem>> -> memref<128xi32, #tpu.memory_space<vmem>>
      %dma_wait3A_67 = arith.constant 0 : i32
      %dma_wait3A_68 = arith.constant 0 : i32
      %dma_wait3A_69 = tpu.memref_slice %arg2[%dma_wait3A_67, %dma_wait3A_68] : memref<20000x128xf32, #tpu.memory_space<hbm>> -> memref<20000x128xf32, #tpu.memory_space<hbm>>
      tpu.wait_indirect_dma semaphore(%arg11 : memref<!tpu.dma_semaphore, #tpu.memory_space<semaphore_mem>>) src(%dma_wait3A_69 : memref<20000x128xf32, #tpu.memory_space<hbm>>) dst(%arg8 : memref<128x128xf32, #tpu.memory_space<vmem>>)
      %dma_start3A_70 = arith.constant 5 : i32
      %dma_start3A_71 = arith.constant 0 : i32
      %dma_start3A_72 = tpu.memref_slice %arg6[%dma_start3A_70, %dma_start3A_71] : memref<8x128xi32, #tpu.memory_space<vmem>> -> memref<1x128xi32, #tpu.memory_space<vmem>>
      %dma_start3A_73 = tpu.memref_squeeze %dma_start3A_72 : memref<1x128xi32, #tpu.memory_space<vmem>> -> memref<128xi32, #tpu.memory_space<vmem>>
      %dma_start3A_74 = arith.constant 0 : i32
      %dma_start3A_75 = arith.constant 0 : i32
      %dma_start3A_76 = tpu.memref_slice %arg16[%dma_start3A_74, %dma_start3A_75] : memref<10008x128xf32, #tpu.memory_space<vmem_shared>> -> memref<10008x128xf32, #tpu.memory_space<vmem_shared>>
      tpu.enqueue_indirect_dma source(%arg8 : memref<128x128xf32, #tpu.memory_space<vmem>>) target(%dma_start3A_76 : memref<10008x128xf32, #tpu.memory_space<vmem_shared>>) offsets(%dma_start3A_73 : memref<128xi32, #tpu.memory_space<vmem>>) semaphore(%arg14 : memref<!tpu.dma_semaphore, #tpu.memory_space<semaphore_mem>>) {add = true}
      %dma_wait3A_77 = arith.constant 4 : i32
      %dma_wait3A_78 = arith.constant 0 : i32
      %dma_wait3A_79 = tpu.memref_slice %arg6[%dma_wait3A_77, %dma_wait3A_78] : memref<8x128xi32, #tpu.memory_space<vmem>> -> memref<1x128xi32, #tpu.memory_space<vmem>>
      %dma_wait3A_80 = tpu.memref_squeeze %dma_wait3A_79 : memref<1x128xi32, #tpu.memory_space<vmem>> -> memref<128xi32, #tpu.memory_space<vmem>>
      %dma_wait3A_81 = arith.constant 0 : i32
      %dma_wait3A_82 = arith.constant 0 : i32
      %dma_wait3A_83 = tpu.memref_slice %arg16[%dma_wait3A_81, %dma_wait3A_82] : memref<10008x128xf32, #tpu.memory_space<vmem_shared>> -> memref<10008x128xf32, #tpu.memory_space<vmem_shared>>
      tpu.wait_indirect_dma semaphore(%arg13 : memref<!tpu.dma_semaphore, #tpu.memory_space<semaphore_mem>>) src(%arg7 : memref<128x128xf32, #tpu.memory_space<vmem>>) dst(%dma_wait3A_83 : memref<10008x128xf32, #tpu.memory_space<vmem_shared>>)
      %dma_start3A_84 = arith.constant 3 : i32
      %dma_start3A_85 = arith.constant 0 : i32
      %dma_start3A_86 = tpu.memref_slice %arg6[%dma_start3A_84, %dma_start3A_85] : memref<8x128xi32, #tpu.memory_space<vmem>> -> memref<1x128xi32, #tpu.memory_space<vmem>>
      %dma_start3A_87 = tpu.memref_squeeze %dma_start3A_86 : memref<1x128xi32, #tpu.memory_space<vmem>> -> memref<128xi32, #tpu.memory_space<vmem>>
      %dma_start3A_88 = arith.constant 0 : i32
      %dma_start3A_89 = arith.constant 0 : i32
      %dma_start3A_90 = tpu.memref_slice %arg2[%dma_start3A_88, %dma_start3A_89] : memref<20000x128xf32, #tpu.memory_space<hbm>> -> memref<20000x128xf32, #tpu.memory_space<hbm>>
      tpu.enqueue_indirect_dma source(%dma_start3A_90 : memref<20000x128xf32, #tpu.memory_space<hbm>>) target(%arg7 : memref<128x128xf32, #tpu.memory_space<vmem>>) offsets(%dma_start3A_87 : memref<128xi32, #tpu.memory_space<vmem>>) semaphore(%arg10 : memref<!tpu.dma_semaphore, #tpu.memory_space<semaphore_mem>>)
      %dma_wait3A_91 = arith.constant 2 : i32
      %dma_wait3A_92 = arith.constant 0 : i32
      %dma_wait3A_93 = tpu.memref_slice %arg6[%dma_wait3A_91, %dma_wait3A_92] : memref<8x128xi32, #tpu.memory_space<vmem>> -> memref<1x128xi32, #tpu.memory_space<vmem>>
      %dma_wait3A_94 = tpu.memref_squeeze %dma_wait3A_93 : memref<1x128xi32, #tpu.memory_space<vmem>> -> memref<128xi32, #tpu.memory_space<vmem>>
      %dma_wait3A_95 = arith.constant 0 : i32
      %dma_wait3A_96 = arith.constant 0 : i32
      %dma_wait3A_97 = tpu.memref_slice %arg2[%dma_wait3A_95, %dma_wait3A_96] : memref<20000x128xf32, #tpu.memory_space<hbm>> -> memref<20000x128xf32, #tpu.memory_space<hbm>>
      tpu.wait_indirect_dma semaphore(%arg12 : memref<!tpu.dma_semaphore, #tpu.memory_space<semaphore_mem>>) src(%dma_wait3A_97 : memref<20000x128xf32, #tpu.memory_space<hbm>>) dst(%arg9 : memref<128x128xf32, #tpu.memory_space<vmem>>)
      %dma_start3A_98 = arith.constant 6 : i32
      %dma_start3A_99 = arith.constant 0 : i32
      %dma_start3A_100 = tpu.memref_slice %arg6[%dma_start3A_98, %dma_start3A_99] : memref<8x128xi32, #tpu.memory_space<vmem>> -> memref<1x128xi32, #tpu.memory_space<vmem>>
      %dma_start3A_101 = tpu.memref_squeeze %dma_start3A_100 : memref<1x128xi32, #tpu.memory_space<vmem>> -> memref<128xi32, #tpu.memory_space<vmem>>
      %dma_start3A_102 = arith.constant 0 : i32
      %dma_start3A_103 = arith.constant 0 : i32
      %dma_start3A_104 = tpu.memref_slice %arg16[%dma_start3A_102, %dma_start3A_103] : memref<10008x128xf32, #tpu.memory_space<vmem_shared>> -> memref<10008x128xf32, #tpu.memory_space<vmem_shared>>
      tpu.enqueue_indirect_dma source(%arg9 : memref<128x128xf32, #tpu.memory_space<vmem>>) target(%dma_start3A_104 : memref<10008x128xf32, #tpu.memory_space<vmem_shared>>) offsets(%dma_start3A_101 : memref<128xi32, #tpu.memory_space<vmem>>) semaphore(%arg15 : memref<!tpu.dma_semaphore, #tpu.memory_space<semaphore_mem>>) {add = true}
      %dma_wait3A_105 = arith.constant 3 : i32
      %dma_wait3A_106 = arith.constant 0 : i32
      %dma_wait3A_107 = tpu.memref_slice %arg6[%dma_wait3A_105, %dma_wait3A_106] : memref<8x128xi32, #tpu.memory_space<vmem>> -> memref<1x128xi32, #tpu.memory_space<vmem>>
      %dma_wait3A_108 = tpu.memref_squeeze %dma_wait3A_107 : memref<1x128xi32, #tpu.memory_space<vmem>> -> memref<128xi32, #tpu.memory_space<vmem>>
      %dma_wait3A_109 = arith.constant 0 : i32
      %dma_wait3A_110 = arith.constant 0 : i32
      %dma_wait3A_111 = tpu.memref_slice %arg2[%dma_wait3A_109, %dma_wait3A_110] : memref<20000x128xf32, #tpu.memory_space<hbm>> -> memref<20000x128xf32, #tpu.memory_space<hbm>>
      tpu.wait_indirect_dma semaphore(%arg10 : memref<!tpu.dma_semaphore, #tpu.memory_space<semaphore_mem>>) src(%dma_wait3A_111 : memref<20000x128xf32, #tpu.memory_space<hbm>>) dst(%arg7 : memref<128x128xf32, #tpu.memory_space<vmem>>)
      %dma_start3A_112 = arith.constant 7 : i32
      %dma_start3A_113 = arith.constant 0 : i32
      %dma_start3A_114 = tpu.memref_slice %arg6[%dma_start3A_112, %dma_start3A_113] : memref<8x128xi32, #tpu.memory_space<vmem>> -> memref<1x128xi32, #tpu.memory_space<vmem>>
      %dma_start3A_115 = tpu.memref_squeeze %dma_start3A_114 : memref<1x128xi32, #tpu.memory_space<vmem>> -> memref<128xi32, #tpu.memory_space<vmem>>
      %dma_start3A_116 = arith.constant 0 : i32
      %dma_start3A_117 = arith.constant 0 : i32
      %dma_start3A_118 = tpu.memref_slice %arg16[%dma_start3A_116, %dma_start3A_117] : memref<10008x128xf32, #tpu.memory_space<vmem_shared>> -> memref<10008x128xf32, #tpu.memory_space<vmem_shared>>
      tpu.enqueue_indirect_dma source(%arg7 : memref<128x128xf32, #tpu.memory_space<vmem>>) target(%dma_start3A_118 : memref<10008x128xf32, #tpu.memory_space<vmem_shared>>) offsets(%dma_start3A_115 : memref<128xi32, #tpu.memory_space<vmem>>) semaphore(%arg13 : memref<!tpu.dma_semaphore, #tpu.memory_space<semaphore_mem>>) {add = true}
      %dma_wait3A_119 = arith.constant 5 : i32
      %dma_wait3A_120 = arith.constant 0 : i32
      %dma_wait3A_121 = tpu.memref_slice %arg6[%dma_wait3A_119, %dma_wait3A_120] : memref<8x128xi32, #tpu.memory_space<vmem>> -> memref<1x128xi32, #tpu.memory_space<vmem>>
      %dma_wait3A_122 = tpu.memref_squeeze %dma_wait3A_121 : memref<1x128xi32, #tpu.memory_space<vmem>> -> memref<128xi32, #tpu.memory_space<vmem>>
      %dma_wait3A_123 = arith.constant 0 : i32
      %dma_wait3A_124 = arith.constant 0 : i32
      %dma_wait3A_125 = tpu.memref_slice %arg16[%dma_wait3A_123, %dma_wait3A_124] : memref<10008x128xf32, #tpu.memory_space<vmem_shared>> -> memref<10008x128xf32, #tpu.memory_space<vmem_shared>>
      tpu.wait_indirect_dma semaphore(%arg14 : memref<!tpu.dma_semaphore, #tpu.memory_space<semaphore_mem>>) src(%arg8 : memref<128x128xf32, #tpu.memory_space<vmem>>) dst(%dma_wait3A_125 : memref<10008x128xf32, #tpu.memory_space<vmem_shared>>)
      %dma_wait3A_126 = arith.constant 6 : i32
      %dma_wait3A_127 = arith.constant 0 : i32
      %dma_wait3A_128 = tpu.memref_slice %arg6[%dma_wait3A_126, %dma_wait3A_127] : memref<8x128xi32, #tpu.memory_space<vmem>> -> memref<1x128xi32, #tpu.memory_space<vmem>>
      %dma_wait3A_129 = tpu.memref_squeeze %dma_wait3A_128 : memref<1x128xi32, #tpu.memory_space<vmem>> -> memref<128xi32, #tpu.memory_space<vmem>>
      %dma_wait3A_130 = arith.constant 0 : i32
      %dma_wait3A_131 = arith.constant 0 : i32
      %dma_wait3A_132 = tpu.memref_slice %arg16[%dma_wait3A_130, %dma_wait3A_131] : memref<10008x128xf32, #tpu.memory_space<vmem_shared>> -> memref<10008x128xf32, #tpu.memory_space<vmem_shared>>
      tpu.wait_indirect_dma semaphore(%arg15 : memref<!tpu.dma_semaphore, #tpu.memory_space<semaphore_mem>>) src(%arg9 : memref<128x128xf32, #tpu.memory_space<vmem>>) dst(%dma_wait3A_132 : memref<10008x128xf32, #tpu.memory_space<vmem_shared>>)
      %dma_wait3A_133 = arith.constant 7 : i32
      %dma_wait3A_134 = arith.constant 0 : i32
      %dma_wait3A_135 = tpu.memref_slice %arg6[%dma_wait3A_133, %dma_wait3A_134] : memref<8x128xi32, #tpu.memory_space<vmem>> -> memref<1x128xi32, #tpu.memory_space<vmem>>
      %dma_wait3A_136 = tpu.memref_squeeze %dma_wait3A_135 : memref<1x128xi32, #tpu.memory_space<vmem>> -> memref<128xi32, #tpu.memory_space<vmem>>
      %dma_wait3A_137 = arith.constant 0 : i32
      %dma_wait3A_138 = arith.constant 0 : i32
      %dma_wait3A_139 = tpu.memref_slice %arg16[%dma_wait3A_137, %dma_wait3A_138] : memref<10008x128xf32, #tpu.memory_space<vmem_shared>> -> memref<10008x128xf32, #tpu.memory_space<vmem_shared>>
      tpu.wait_indirect_dma semaphore(%arg13 : memref<!tpu.dma_semaphore, #tpu.memory_space<semaphore_mem>>) src(%arg7 : memref<128x128xf32, #tpu.memory_space<vmem>>) dst(%dma_wait3A_139 : memref<10008x128xf32, #tpu.memory_space<vmem_shared>>)
    }
    %while3A_17 = arith.constant 1 : i32
    scf.for %while3A_29 = %while3A_15 to %while3A_11 step %while3A_17  : i32 {
      "tpu.region"() ({
        %run_scoped3A = tpu.sem_alloc : memref<!tpu.dma_semaphore, #tpu.memory_space<semaphore_mem>>
        %dma_start3A_140 = arith.constant 0 : i32
        %dma_start3A_141 = arith.constant 0 : i32
        %dma_start3A_142 = tpu.memref_slice %arg3[%arg0, %while3A_29, %dma_start3A_140, %dma_start3A_141] : memref<2x320x8x128xi32, #tpu.memory_space<hbm>> -> memref<1x1x8x128xi32, #tpu.memory_space<hbm>>
        %dma_start3A_143 = tpu.memref_squeeze %dma_start3A_142 : memref<1x1x8x128xi32, #tpu.memory_space<hbm>> -> memref<8x128xi32, #tpu.memory_space<hbm>>
        %dma_start3A_144 = arith.constant 0 : i32
        %dma_start3A_145 = arith.constant 0 : i32
        %dma_start3A_146 = tpu.memref_slice %arg3[%arg0, %while3A_29, %dma_start3A_144, %dma_start3A_145] : memref<2x320x8x128xi32, #tpu.memory_space<hbm>> -> memref<1x1x8x128xi32, #tpu.memory_space<hbm>>
        %dma_start3A_147 = tpu.memref_squeeze %dma_start3A_146 : memref<1x1x8x128xi32, #tpu.memory_space<hbm>> -> memref<8x128xi32, #tpu.memory_space<hbm>>
        tpu.enqueue_dma source(%dma_start3A_147 : memref<8x128xi32, #tpu.memory_space<hbm>>) target(%arg6 : memref<8x128xi32, #tpu.memory_space<vmem>>) target_semaphore(%run_scoped3A : memref<!tpu.dma_semaphore, #tpu.memory_space<semaphore_mem>>)
        %dma_wait3A_148 = arith.constant 0 : i32
        %dma_wait3A_149 = arith.constant 0 : i32
        %dma_wait3A_150 = tpu.memref_slice %arg3[%arg0, %while3A_29, %dma_wait3A_148, %dma_wait3A_149] : memref<2x320x8x128xi32, #tpu.memory_space<hbm>> -> memref<1x1x8x128xi32, #tpu.memory_space<hbm>>
        %dma_wait3A_151 = tpu.memref_squeeze %dma_wait3A_150 : memref<1x1x8x128xi32, #tpu.memory_space<hbm>> -> memref<8x128xi32, #tpu.memory_space<hbm>>
        %dma_wait3A_152 = arith.constant 0 : i32
        %dma_wait3A_153 = arith.constant 0 : i32
        %dma_wait3A_154 = tpu.memref_slice %arg3[%arg0, %while3A_29, %dma_wait3A_152, %dma_wait3A_153] : memref<2x320x8x128xi32, #tpu.memory_space<hbm>> -> memref<1x1x8x128xi32, #tpu.memory_space<hbm>>
        %dma_wait3A_155 = tpu.memref_squeeze %dma_wait3A_154 : memref<1x1x8x128xi32, #tpu.memory_space<hbm>> -> memref<8x128xi32, #tpu.memory_space<hbm>>
        tpu.wait_dma2 semaphore(%run_scoped3A : memref<!tpu.dma_semaphore, #tpu.memory_space<semaphore_mem>>) src(%dma_wait3A_155 : memref<8x128xi32, #tpu.memory_space<hbm>>) dst(%arg6 : memref<8x128xi32, #tpu.memory_space<vmem>>)
        tpu.yield
      }) : () -> ()
      %dma_start3A = arith.constant 0 : i32
      %dma_start3A_30 = arith.constant 0 : i32
      %dma_start3A_31 = tpu.memref_slice %arg6[%dma_start3A, %dma_start3A_30] : memref<8x128xi32, #tpu.memory_space<vmem>> -> memref<1x128xi32, #tpu.memory_space<vmem>>
      %dma_start3A_32 = tpu.memref_squeeze %dma_start3A_31 : memref<1x128xi32, #tpu.memory_space<vmem>> -> memref<128xi32, #tpu.memory_space<vmem>>
      %dma_start3A_33 = arith.constant 0 : i32
      %dma_start3A_34 = arith.constant 0 : i32
      %dma_start3A_35 = tpu.memref_slice %arg2[%dma_start3A_33, %dma_start3A_34] : memref<20000x128xf32, #tpu.memory_space<hbm>> -> memref<20000x128xf32, #tpu.memory_space<hbm>>
      tpu.enqueue_indirect_dma source(%dma_start3A_35 : memref<20000x128xf32, #tpu.memory_space<hbm>>) target(%arg7 : memref<128x128xf32, #tpu.memory_space<vmem>>) offsets(%dma_start3A_32 : memref<128xi32, #tpu.memory_space<vmem>>) semaphore(%arg10 : memref<!tpu.dma_semaphore, #tpu.memory_space<semaphore_mem>>)
      %dma_start3A_36 = arith.constant 1 : i32
      %dma_start3A_37 = arith.constant 0 : i32
      %dma_start3A_38 = tpu.memref_slice %arg6[%dma_start3A_36, %dma_start3A_37] : memref<8x128xi32, #tpu.memory_space<vmem>> -> memref<1x128xi32, #tpu.memory_space<vmem>>
      %dma_start3A_39 = tpu.memref_squeeze %dma_start3A_38 : memref<1x128xi32, #tpu.memory_space<vmem>> -> memref<128xi32, #tpu.memory_space<vmem>>
      %dma_start3A_40 = arith.constant 0 : i32
      %dma_start3A_41 = arith.constant 0 : i32
      %dma_start3A_42 = tpu.memref_slice %arg2[%dma_start3A_40, %dma_start3A_41] : memref<20000x128xf32, #tpu.memory_space<hbm>> -> memref<20000x128xf32, #tpu.memory_space<hbm>>
      tpu.enqueue_indirect_dma source(%dma_start3A_42 : memref<20000x128xf32, #tpu.memory_space<hbm>>) target(%arg8 : memref<128x128xf32, #tpu.memory_space<vmem>>) offsets(%dma_start3A_39 : memref<128xi32, #tpu.memory_space<vmem>>) semaphore(%arg11 : memref<!tpu.dma_semaphore, #tpu.memory_space<semaphore_mem>>)
      %dma_wait3A = arith.constant 0 : i32
      %dma_wait3A_43 = arith.constant 0 : i32
      %dma_wait3A_44 = tpu.memref_slice %arg6[%dma_wait3A, %dma_wait3A_43] : memref<8x128xi32, #tpu.memory_space<vmem>> -> memref<1x128xi32, #tpu.memory_space<vmem>>
      %dma_wait3A_45 = tpu.memref_squeeze %dma_wait3A_44 : memref<1x128xi32, #tpu.memory_space<vmem>> -> memref<128xi32, #tpu.memory_space<vmem>>
      %dma_wait3A_46 = arith.constant 0 : i32
      %dma_wait3A_47 = arith.constant 0 : i32
      %dma_wait3A_48 = tpu.memref_slice %arg2[%dma_wait3A_46, %dma_wait3A_47] : memref<20000x128xf32, #tpu.memory_space<hbm>> -> memref<20000x128xf32, #tpu.memory_space<hbm>>
      tpu.wait_indirect_dma semaphore(%arg10 : memref<!tpu.dma_semaphore, #tpu.memory_space<semaphore_mem>>) src(%dma_wait3A_48 : memref<20000x128xf32, #tpu.memory_space<hbm>>) dst(%arg7 : memref<128x128xf32, #tpu.memory_space<vmem>>)
      %dma_start3A_49 = arith.constant 4 : i32
      %dma_start3A_50 = arith.constant 0 : i32
      %dma_start3A_51 = tpu.memref_slice %arg6[%dma_start3A_49, %dma_start3A_50] : memref<8x128xi32, #tpu.memory_space<vmem>> -> memref<1x128xi32, #tpu.memory_space<vmem>>
      %dma_start3A_52 = tpu.memref_squeeze %dma_start3A_51 : memref<1x128xi32, #tpu.memory_space<vmem>> -> memref<128xi32, #tpu.memory_space<vmem>>
      %dma_start3A_53 = arith.constant 0 : i32
      %dma_start3A_54 = arith.constant 0 : i32
      %dma_start3A_55 = tpu.memref_slice %arg16[%dma_start3A_53, %dma_start3A_54] : memref<10008x128xf32, #tpu.memory_space<vmem_shared>> -> memref<10008x128xf32, #tpu.memory_space<vmem_shared>>
      tpu.enqueue_indirect_dma source(%arg7 : memref<128x128xf32, #tpu.memory_space<vmem>>) target(%dma_start3A_55 : memref<10008x128xf32, #tpu.memory_space<vmem_shared>>) offsets(%dma_start3A_52 : memref<128xi32, #tpu.memory_space<vmem>>) semaphore(%arg13 : memref<!tpu.dma_semaphore, #tpu.memory_space<semaphore_mem>>) {add = true}
      %dma_start3A_56 = arith.constant 2 : i32
      %dma_start3A_57 = arith.constant 0 : i32
      %dma_start3A_58 = tpu.memref_slice %arg6[%dma_start3A_56, %dma_start3A_57] : memref<8x128xi32, #tpu.memory_space<vmem>> -> memref<1x128xi32, #tpu.memory_space<vmem>>
      %dma_start3A_59 = tpu.memref_squeeze %dma_start3A_58 : memref<1x128xi32, #tpu.memory_space<vmem>> -> memref<128xi32, #tpu.memory_space<vmem>>
      %dma_start3A_60 = arith.constant 0 : i32
      %dma_start3A_61 = arith.constant 0 : i32
      %dma_start3A_62 = tpu.memref_slice %arg2[%dma_start3A_60, %dma_start3A_61] : memref<20000x128xf32, #tpu.memory_space<hbm>> -> memref<20000x128xf32, #tpu.memory_space<hbm>>
      tpu.enqueue_indirect_dma source(%dma_start3A_62 : memref<20000x128xf32, #tpu.memory_space<hbm>>) target(%arg9 : memref<128x128xf32, #tpu.memory_space<vmem>>) offsets(%dma_start3A_59 : memref<128xi32, #tpu.memory_space<vmem>>) semaphore(%arg12 : memref<!tpu.dma_semaphore, #tpu.memory_space<semaphore_mem>>)
      %dma_wait3A_63 = arith.constant 1 : i32
      %dma_wait3A_64 = arith.constant 0 : i32
      %dma_wait3A_65 = tpu.memref_slice %arg6[%dma_wait3A_63, %dma_wait3A_64] : memref<8x128xi32, #tpu.memory_space<vmem>> -> memref<1x128xi32, #tpu.memory_space<vmem>>
      %dma_wait3A_66 = tpu.memref_squeeze %dma_wait3A_65 : memref<1x128xi32, #tpu.memory_space<vmem>> -> memref<128xi32, #tpu.memory_space<vmem>>
      %dma_wait3A_67 = arith.constant 0 : i32
      %dma_wait3A_68 = arith.constant 0 : i32
      %dma_wait3A_69 = tpu.memref_slice %arg2[%dma_wait3A_67, %dma_wait3A_68] : memref<20000x128xf32, #tpu.memory_space<hbm>> -> memref<20000x128xf32, #tpu.memory_space<hbm>>
      tpu.wait_indirect_dma semaphore(%arg11 : memref<!tpu.dma_semaphore, #tpu.memory_space<semaphore_mem>>) src(%dma_wait3A_69 : memref<20000x128xf32, #tpu.memory_space<hbm>>) dst(%arg8 : memref<128x128xf32, #tpu.memory_space<vmem>>)
      %dma_start3A_70 = arith.constant 5 : i32
      %dma_start3A_71 = arith.constant 0 : i32
      %dma_start3A_72 = tpu.memref_slice %arg6[%dma_start3A_70, %dma_start3A_71] : memref<8x128xi32, #tpu.memory_space<vmem>> -> memref<1x128xi32, #tpu.memory_space<vmem>>
      %dma_start3A_73 = tpu.memref_squeeze %dma_start3A_72 : memref<1x128xi32, #tpu.memory_space<vmem>> -> memref<128xi32, #tpu.memory_space<vmem>>
      %dma_start3A_74 = arith.constant 0 : i32
      %dma_start3A_75 = arith.constant 0 : i32
      %dma_start3A_76 = tpu.memref_slice %arg16[%dma_start3A_74, %dma_start3A_75] : memref<10008x128xf32, #tpu.memory_space<vmem_shared>> -> memref<10008x128xf32, #tpu.memory_space<vmem_shared>>
      tpu.enqueue_indirect_dma source(%arg8 : memref<128x128xf32, #tpu.memory_space<vmem>>) target(%dma_start3A_76 : memref<10008x128xf32, #tpu.memory_space<vmem_shared>>) offsets(%dma_start3A_73 : memref<128xi32, #tpu.memory_space<vmem>>) semaphore(%arg14 : memref<!tpu.dma_semaphore, #tpu.memory_space<semaphore_mem>>) {add = true}
      %dma_wait3A_77 = arith.constant 4 : i32
      %dma_wait3A_78 = arith.constant 0 : i32
      %dma_wait3A_79 = tpu.memref_slice %arg6[%dma_wait3A_77, %dma_wait3A_78] : memref<8x128xi32, #tpu.memory_space<vmem>> -> memref<1x128xi32, #tpu.memory_space<vmem>>
      %dma_wait3A_80 = tpu.memref_squeeze %dma_wait3A_79 : memref<1x128xi32, #tpu.memory_space<vmem>> -> memref<128xi32, #tpu.memory_space<vmem>>
      %dma_wait3A_81 = arith.constant 0 : i32
      %dma_wait3A_82 = arith.constant 0 : i32
      %dma_wait3A_83 = tpu.memref_slice %arg16[%dma_wait3A_81, %dma_wait3A_82] : memref<10008x128xf32, #tpu.memory_space<vmem_shared>> -> memref<10008x128xf32, #tpu.memory_space<vmem_shared>>
      tpu.wait_indirect_dma semaphore(%arg13 : memref<!tpu.dma_semaphore, #tpu.memory_space<semaphore_mem>>) src(%arg7 : memref<128x128xf32, #tpu.memory_space<vmem>>) dst(%dma_wait3A_83 : memref<10008x128xf32, #tpu.memory_space<vmem_shared>>)
      %dma_start3A_84 = arith.constant 3 : i32
      %dma_start3A_85 = arith.constant 0 : i32
      %dma_start3A_86 = tpu.memref_slice %arg6[%dma_start3A_84, %dma_start3A_85] : memref<8x128xi32, #tpu.memory_space<vmem>> -> memref<1x128xi32, #tpu.memory_space<vmem>>
      %dma_start3A_87 = tpu.memref_squeeze %dma_start3A_86 : memref<1x128xi32, #tpu.memory_space<vmem>> -> memref<128xi32, #tpu.memory_space<vmem>>
      %dma_start3A_88 = arith.constant 0 : i32
      %dma_start3A_89 = arith.constant 0 : i32
      %dma_start3A_90 = tpu.memref_slice %arg2[%dma_start3A_88, %dma_start3A_89] : memref<20000x128xf32, #tpu.memory_space<hbm>> -> memref<20000x128xf32, #tpu.memory_space<hbm>>
      tpu.enqueue_indirect_dma source(%dma_start3A_90 : memref<20000x128xf32, #tpu.memory_space<hbm>>) target(%arg7 : memref<128x128xf32, #tpu.memory_space<vmem>>) offsets(%dma_start3A_87 : memref<128xi32, #tpu.memory_space<vmem>>) semaphore(%arg10 : memref<!tpu.dma_semaphore, #tpu.memory_space<semaphore_mem>>)
      %dma_wait3A_91 = arith.constant 2 : i32
      %dma_wait3A_92 = arith.constant 0 : i32
      %dma_wait3A_93 = tpu.memref_slice %arg6[%dma_wait3A_91, %dma_wait3A_92] : memref<8x128xi32, #tpu.memory_space<vmem>> -> memref<1x128xi32, #tpu.memory_space<vmem>>
      %dma_wait3A_94 = tpu.memref_squeeze %dma_wait3A_93 : memref<1x128xi32, #tpu.memory_space<vmem>> -> memref<128xi32, #tpu.memory_space<vmem>>
      %dma_wait3A_95 = arith.constant 0 : i32
      %dma_wait3A_96 = arith.constant 0 : i32
      %dma_wait3A_97 = tpu.memref_slice %arg2[%dma_wait3A_95, %dma_wait3A_96] : memref<20000x128xf32, #tpu.memory_space<hbm>> -> memref<20000x128xf32, #tpu.memory_space<hbm>>
      tpu.wait_indirect_dma semaphore(%arg12 : memref<!tpu.dma_semaphore, #tpu.memory_space<semaphore_mem>>) src(%dma_wait3A_97 : memref<20000x128xf32, #tpu.memory_space<hbm>>) dst(%arg9 : memref<128x128xf32, #tpu.memory_space<vmem>>)
      %dma_start3A_98 = arith.constant 6 : i32
      %dma_start3A_99 = arith.constant 0 : i32
      %dma_start3A_100 = tpu.memref_slice %arg6[%dma_start3A_98, %dma_start3A_99] : memref<8x128xi32, #tpu.memory_space<vmem>> -> memref<1x128xi32, #tpu.memory_space<vmem>>
      %dma_start3A_101 = tpu.memref_squeeze %dma_start3A_100 : memref<1x128xi32, #tpu.memory_space<vmem>> -> memref<128xi32, #tpu.memory_space<vmem>>
      %dma_start3A_102 = arith.constant 0 : i32
      %dma_start3A_103 = arith.constant 0 : i32
      %dma_start3A_104 = tpu.memref_slice %arg16[%dma_start3A_102, %dma_start3A_103] : memref<10008x128xf32, #tpu.memory_space<vmem_shared>> -> memref<10008x128xf32, #tpu.memory_space<vmem_shared>>
      tpu.enqueue_indirect_dma source(%arg9 : memref<128x128xf32, #tpu.memory_space<vmem>>) target(%dma_start3A_104 : memref<10008x128xf32, #tpu.memory_space<vmem_shared>>) offsets(%dma_start3A_101 : memref<128xi32, #tpu.memory_space<vmem>>) semaphore(%arg15 : memref<!tpu.dma_semaphore, #tpu.memory_space<semaphore_mem>>) {add = true}
      %dma_wait3A_105 = arith.constant 3 : i32
      %dma_wait3A_106 = arith.constant 0 : i32
      %dma_wait3A_107 = tpu.memref_slice %arg6[%dma_wait3A_105, %dma_wait3A_106] : memref<8x128xi32, #tpu.memory_space<vmem>> -> memref<1x128xi32, #tpu.memory_space<vmem>>
      %dma_wait3A_108 = tpu.memref_squeeze %dma_wait3A_107 : memref<1x128xi32, #tpu.memory_space<vmem>> -> memref<128xi32, #tpu.memory_space<vmem>>
      %dma_wait3A_109 = arith.constant 0 : i32
      %dma_wait3A_110 = arith.constant 0 : i32
      %dma_wait3A_111 = tpu.memref_slice %arg2[%dma_wait3A_109, %dma_wait3A_110] : memref<20000x128xf32, #tpu.memory_space<hbm>> -> memref<20000x128xf32, #tpu.memory_space<hbm>>
      tpu.wait_indirect_dma semaphore(%arg10 : memref<!tpu.dma_semaphore, #tpu.memory_space<semaphore_mem>>) src(%dma_wait3A_111 : memref<20000x128xf32, #tpu.memory_space<hbm>>) dst(%arg7 : memref<128x128xf32, #tpu.memory_space<vmem>>)
      %dma_start3A_112 = arith.constant 7 : i32
      %dma_start3A_113 = arith.constant 0 : i32
      %dma_start3A_114 = tpu.memref_slice %arg6[%dma_start3A_112, %dma_start3A_113] : memref<8x128xi32, #tpu.memory_space<vmem>> -> memref<1x128xi32, #tpu.memory_space<vmem>>
      %dma_start3A_115 = tpu.memref_squeeze %dma_start3A_114 : memref<1x128xi32, #tpu.memory_space<vmem>> -> memref<128xi32, #tpu.memory_space<vmem>>
      %dma_start3A_116 = arith.constant 0 : i32
      %dma_start3A_117 = arith.constant 0 : i32
      %dma_start3A_118 = tpu.memref_slice %arg16[%dma_start3A_116, %dma_start3A_117] : memref<10008x128xf32, #tpu.memory_space<vmem_shared>> -> memref<10008x128xf32, #tpu.memory_space<vmem_shared>>
      tpu.enqueue_indirect_dma source(%arg7 : memref<128x128xf32, #tpu.memory_space<vmem>>) target(%dma_start3A_118 : memref<10008x128xf32, #tpu.memory_space<vmem_shared>>) offsets(%dma_start3A_115 : memref<128xi32, #tpu.memory_space<vmem>>) semaphore(%arg13 : memref<!tpu.dma_semaphore, #tpu.memory_space<semaphore_mem>>) {add = true}
      %dma_wait3A_119 = arith.constant 5 : i32
      %dma_wait3A_120 = arith.constant 0 : i32
      %dma_wait3A_121 = tpu.memref_slice %arg6[%dma_wait3A_119, %dma_wait3A_120] : memref<8x128xi32, #tpu.memory_space<vmem>> -> memref<1x128xi32, #tpu.memory_space<vmem>>
      %dma_wait3A_122 = tpu.memref_squeeze %dma_wait3A_121 : memref<1x128xi32, #tpu.memory_space<vmem>> -> memref<128xi32, #tpu.memory_space<vmem>>
      %dma_wait3A_123 = arith.constant 0 : i32
      %dma_wait3A_124 = arith.constant 0 : i32
      %dma_wait3A_125 = tpu.memref_slice %arg16[%dma_wait3A_123, %dma_wait3A_124] : memref<10008x128xf32, #tpu.memory_space<vmem_shared>> -> memref<10008x128xf32, #tpu.memory_space<vmem_shared>>
      tpu.wait_indirect_dma semaphore(%arg14 : memref<!tpu.dma_semaphore, #tpu.memory_space<semaphore_mem>>) src(%arg8 : memref<128x128xf32, #tpu.memory_space<vmem>>) dst(%dma_wait3A_125 : memref<10008x128xf32, #tpu.memory_space<vmem_shared>>)
      %dma_wait3A_126 = arith.constant 6 : i32
      %dma_wait3A_127 = arith.constant 0 : i32
      %dma_wait3A_128 = tpu.memref_slice %arg6[%dma_wait3A_126, %dma_wait3A_127] : memref<8x128xi32, #tpu.memory_space<vmem>> -> memref<1x128xi32, #tpu.memory_space<vmem>>
      %dma_wait3A_129 = tpu.memref_squeeze %dma_wait3A_128 : memref<1x128xi32, #tpu.memory_space<vmem>> -> memref<128xi32, #tpu.memory_space<vmem>>
      %dma_wait3A_130 = arith.constant 0 : i32
      %dma_wait3A_131 = arith.constant 0 : i32
      %dma_wait3A_132 = tpu.memref_slice %arg16[%dma_wait3A_130, %dma_wait3A_131] : memref<10008x128xf32, #tpu.memory_space<vmem_shared>> -> memref<10008x128xf32, #tpu.memory_space<vmem_shared>>
      tpu.wait_indirect_dma semaphore(%arg15 : memref<!tpu.dma_semaphore, #tpu.memory_space<semaphore_mem>>) src(%arg9 : memref<128x128xf32, #tpu.memory_space<vmem>>) dst(%dma_wait3A_132 : memref<10008x128xf32, #tpu.memory_space<vmem_shared>>)
      %dma_wait3A_133 = arith.constant 7 : i32
      %dma_wait3A_134 = arith.constant 0 : i32
      %dma_wait3A_135 = tpu.memref_slice %arg6[%dma_wait3A_133, %dma_wait3A_134] : memref<8x128xi32, #tpu.memory_space<vmem>> -> memref<1x128xi32, #tpu.memory_space<vmem>>
      %dma_wait3A_136 = tpu.memref_squeeze %dma_wait3A_135 : memref<1x128xi32, #tpu.memory_space<vmem>> -> memref<128xi32, #tpu.memory_space<vmem>>
      %dma_wait3A_137 = arith.constant 0 : i32
      %dma_wait3A_138 = arith.constant 0 : i32
      %dma_wait3A_139 = tpu.memref_slice %arg16[%dma_wait3A_137, %dma_wait3A_138] : memref<10008x128xf32, #tpu.memory_space<vmem_shared>> -> memref<10008x128xf32, #tpu.memory_space<vmem_shared>>
      tpu.wait_indirect_dma semaphore(%arg13 : memref<!tpu.dma_semaphore, #tpu.memory_space<semaphore_mem>>) src(%arg7 : memref<128x128xf32, #tpu.memory_space<vmem>>) dst(%dma_wait3A_139 : memref<10008x128xf32, #tpu.memory_space<vmem_shared>>)
    }
    %barrier3A_18 = arith.constant 0 : index
    tpu.barrier barrier_id(%barrier3A_18)
    %lt3A_19 = arith.constant 15 : i32
    %lt3A_20 = arith.cmpi slt, %arg1, %lt3A_19 : i32
    %convert_element_type3A_21 = arith.extui %lt3A_20 : i1 to i32
    %cond3A_22 = arith.constant 0 : i32
    %cond3A_23 = arith.cmpi ne, %convert_element_type3A_21, %cond3A_22 : i32
    scf.if %cond3A_23 {
      %mul3A_29 = arith.constant 624 : i32
      %mul3A_30 = arith.muli %arg1, %mul3A_29 : i32
      "tpu.region"() ({
        %run_scoped3A = tpu.sem_alloc : memref<!tpu.dma_semaphore, #tpu.memory_space<semaphore_mem>>
        %dma_start3A = arith.constant 0 : i32
        %dma_start3A_31 = tpu.memref_slice %arg5[%arg0, %mul3A_30, %dma_start3A] : memref<2x10000x128xf32, #tpu.memory_space<hbm>> -> memref<1x624x128xf32, #tpu.memory_space<hbm>>
        %dma_start3A_32 = tpu.memref_squeeze %dma_start3A_31 : memref<1x624x128xf32, #tpu.memory_space<hbm>> -> memref<624x128xf32, #tpu.memory_space<hbm>>
        %dma_start3A_33 = arith.constant 0 : i32
        %dma_start3A_34 = tpu.memref_slice %arg16[%mul3A_30, %dma_start3A_33] : memref<10008x128xf32, #tpu.memory_space<vmem_shared>> -> memref<624x128xf32, #tpu.memory_space<vmem_shared>>
        tpu.enqueue_dma source(%dma_start3A_34 : memref<624x128xf32, #tpu.memory_space<vmem_shared>>) target(%dma_start3A_32 : memref<624x128xf32, #tpu.memory_space<hbm>>) target_semaphore(%run_scoped3A : memref<!tpu.dma_semaphore, #tpu.memory_space<semaphore_mem>>)
        %dma_wait3A = arith.constant 0 : i32
        %dma_wait3A_35 = tpu.memref_slice %arg5[%arg0, %mul3A_30, %dma_wait3A] : memref<2x10000x128xf32, #tpu.memory_space<hbm>> -> memref<1x624x128xf32, #tpu.memory_space<hbm>>
        %dma_wait3A_36 = tpu.memref_squeeze %dma_wait3A_35 : memref<1x624x128xf32, #tpu.memory_space<hbm>> -> memref<624x128xf32, #tpu.memory_space<hbm>>
        %dma_wait3A_37 = arith.constant 0 : i32
        %dma_wait3A_38 = tpu.memref_slice %arg16[%mul3A_30, %dma_wait3A_37] : memref<10008x128xf32, #tpu.memory_space<vmem_shared>> -> memref<624x128xf32, #tpu.memory_space<vmem_shared>>
        tpu.wait_dma2 semaphore(%run_scoped3A : memref<!tpu.dma_semaphore, #tpu.memory_space<semaphore_mem>>) src(%dma_wait3A_38 : memref<624x128xf32, #tpu.memory_space<vmem_shared>>) dst(%dma_wait3A_36 : memref<624x128xf32, #tpu.memory_space<hbm>>)
        tpu.yield
      }) : () -> ()
    } else {
    }
    %eq3A_24 = arith.constant 15 : i32
    %eq3A_25 = arith.cmpi eq, %arg1, %eq3A_24 : i32
    %convert_element_type3A_26 = arith.extui %eq3A_25 : i1 to i32
    %cond3A_27 = arith.constant 0 : i32
    %cond3A_28 = arith.cmpi ne, %convert_element_type3A_26, %cond3A_27 : i32
    scf.if %cond3A_28 {
      "tpu.region"() ({
        %run_scoped3A = tpu.sem_alloc : memref<!tpu.dma_semaphore, #tpu.memory_space<semaphore_mem>>
        %dma_start3A = arith.constant 9360 : i32
        %dma_start3A_29 = arith.constant 0 : i32
        %dma_start3A_30 = tpu.memref_slice %arg5[%arg0, %dma_start3A, %dma_start3A_29] : memref<2x10000x128xf32, #tpu.memory_space<hbm>> -> memref<1x640x128xf32, #tpu.memory_space<hbm>>
        %dma_start3A_31 = tpu.memref_squeeze %dma_start3A_30 : memref<1x640x128xf32, #tpu.memory_space<hbm>> -> memref<640x128xf32, #tpu.memory_space<hbm>>
        %dma_start3A_32 = arith.constant 9360 : i32
        %dma_start3A_33 = arith.constant 0 : i32
        %dma_start3A_34 = tpu.memref_slice %arg16[%dma_start3A_32, %dma_start3A_33] : memref<10008x128xf32, #tpu.memory_space<vmem_shared>> -> memref<640x128xf32, #tpu.memory_space<vmem_shared>>
        tpu.enqueue_dma source(%dma_start3A_34 : memref<640x128xf32, #tpu.memory_space<vmem_shared>>) target(%dma_start3A_31 : memref<640x128xf32, #tpu.memory_space<hbm>>) target_semaphore(%run_scoped3A : memref<!tpu.dma_semaphore, #tpu.memory_space<semaphore_mem>>)
        %dma_wait3A = arith.constant 9360 : i32
        %dma_wait3A_35 = arith.constant 0 : i32
        %dma_wait3A_36 = tpu.memref_slice %arg5[%arg0, %dma_wait3A, %dma_wait3A_35] : memref<2x10000x128xf32, #tpu.memory_space<hbm>> -> memref<1x640x128xf32, #tpu.memory_space<hbm>>
        %dma_wait3A_37 = tpu.memref_squeeze %dma_wait3A_36 : memref<1x640x128xf32, #tpu.memory_space<hbm>> -> memref<640x128xf32, #tpu.memory_space<hbm>>
        %dma_wait3A_38 = arith.constant 9360 : i32
        %dma_wait3A_39 = arith.constant 0 : i32
        %dma_wait3A_40 = tpu.memref_slice %arg16[%dma_wait3A_38, %dma_wait3A_39] : memref<10008x128xf32, #tpu.memory_space<vmem_shared>> -> memref<640x128xf32, #tpu.memory_space<vmem_shared>>
        tpu.wait_dma2 semaphore(%run_scoped3A : memref<!tpu.dma_semaphore, #tpu.memory_space<semaphore_mem>>) src(%dma_wait3A_40 : memref<640x128xf32, #tpu.memory_space<vmem_shared>>) dst(%dma_wait3A_37 : memref<640x128xf32, #tpu.memory_space<hbm>>)
        tpu.yield
      }) : () -> ()
    } else {
    }
    return
  }
}

</mosaic_0001>

<sc_bundles>
// kernel: _sc_segsum_x.3.cloned.1.call-start
scs
__scs_entry_jumppad:
0x0: {  	(pc) =	sbr.rel $0x88, $3  }
0x1: {  	(tag) =	ssettag $0x0;
	lr =	simm.s32 $0x1  }
0x2: {  	[smem:$0x3F9F] =	sst lr;
	_ =	strace $0xD0000000  }
0x3: {  	_ = 	snop  }
0x4: {  	_ = 	snop  }
0x5: {  	_ = 	snop  }
0x6: {  	_ = 	snop  }
0x7: {  	_ = 	snop  }
__scs_overlays_trampoline_lowered:
0x8: {  	[smem:$0x3FAE] =	sst s0  }
0x9: {  	[smem:$0x3FAF] =	sst s1  }
0xa: {  	[smem:$0x3FB0] =	sst s2  }
0xb: {  	[smem:$0x3FB1] =	sst s3  }
0xc: {  	[smem:$0x3FB2] =	sst s4  }
0xd: {  	[smem:$0x3FB3] =	sst s5  }
0xe: {  	[smem:$0x3FB4] =	sst s6  }
0xf: {  	[smem:$0x3FB5] =	sst s7  }
0x10: {  	[smem:$0x3FB6] =	sst s8  }
0x11: {  	[smem:$0x3FB7] =	sst s9;
	s0 =	simm.s32 @!p0 $0x0  }
0x12: {  	s1 =	sld [smem:$0x3F9D];
	s0 =	simm.s32 @p0 $0x1  }
0x13: {  	[smem:$0x3FB8] =	sst s0;
	s0 =	simm.s32 @!p1 $0x0  }
0x14: {  	s2 =	sld [smem:$0x3F9C];
	s0 =	simm.s32 @p1 $0x1  }
0x15: {  	[smem:$0x3FB9] =	sst s0;
	s0 =	simm.s32 @!p2 $0x0  }
0x16: {  	s3 =	sld [smem:$0x3FDB];
	s0 =	simm.s32 @p2 $0x1  }
0x17: {  	s4 =	simm.s32 $0x1BF5;
	[smem:$0x3FBB] =	sst s0  }
0x18: {  	s0 =	sld [smem:$0x3F9E];
	_ =	swait.ge [sflag:s4], $0x0  }
0x19: {  	s7 =	sld [smem:$0x3F9F]  }
0x1a: {  	s8 =	sadd.s32 $0xFFFFE003, lr  }
0x1b: {  	s9 =	sadd.s32 $0xFFFFFEF7, lr;
	s5 =	simm.s32 $0xFFFFFFFF;
	p2 =	slt.u32 s8, $0xFFFFF086  }
0x1c: {  	p1 =	slt.u32 s9, $0xF7A;
	s5 =	simm.s32 @!p2 $0x0  }
0x1d: {  	s5 =	simm.s32 @p1 $0x1;
	p0 =	seq.s32 s7, s2  }
0x1e: {  	s7 =	smul.u32 @!p0 $0xF7A, s2;
	p2 =	seq.s32 @!p0 s5, $0x0  }
0x1f: {  	s9 =	smul.u32 $0xF7A, s1;
	s8 =	simm.s32 @!p0 $0x1BF5;
	p2 =	por !p2, p0  }
0x20: {  	[sflag:s8] =	ssyncset.s32 @!p0 $0xFFFFF086;
	s6 =	sadd.s32 @!p0 s3, s7;
	s7 =	simm.s32 @!p0 $0x108  }
0x21: {  	s3 =	sadd.s32 s3, s9;
	s6 =	sadd.s32 @!p0 $0x88, s6;
	s7 =	simm.s32 @p2 $0x1082  }
0x22: {  	[simem:s7], [sflag:s8] =	dma.local @!p0 [hbm:s6], $0xF7A  }
0x23: {  	s9 =	sor.u32 $0xD0000000, s2;
	s6 =	simm.s32 $0x108;
	_ =	swait.ge @!p0 [sflag:s8], $0x0  }
0x24: {  	s3 =	sadd.s32 $0x88, s3;
	s6 =	simm.s32 @!p1 $0x1082;
	[sflag:s4] =	ssyncset.s32 $0xFFFFF086  }
0x25: {  	[simem:s6], [sflag:s4] =	dma.local [hbm:s3], $0xF7A  }
0x26: {  	[smem:$0x3F9F] =	sst s1;
	(tag) =	ssettag s2;
	_ =	strace s9  }
0x27: {  	s1 =	sld [smem:$0x3FAF]  }
0x28: {  	s2 =	sld [smem:$0x3FB0]  }
0x29: {  	s4 =	sld [smem:$0x3FB2]  }
0x2a: {  	p0 =	seq.s32 s5, $0x0;
	s5 =	sld [smem:$0x3FB3]  }
0x2b: {  	s6 =	sld [smem:$0x3FB4]  }
0x2c: {  	s7 =	sld [smem:$0x3FB5]  }
0x2d: {  	s3 =	simm.s32 $0x108;
	s8 =	sld [smem:$0x3FB6]  }
0x2e: {  	s3 =	simm.s32 @!p0 $0x1082;
	s9 =	sld [smem:$0x3FB7]  }
0x2f: {  	lr =	sadd.s32 s0, s3;
	s0 =	sld [smem:$0x3FAE]  }
0x30: {  	s3 =	sld [smem:$0x3FB1]  }
0x31: {  	[smem:$0x3FBA] =	sst s10  }
0x32: {  	s10 =	sld [smem:$0x3FB8];
	_ =	sdelay $0x3  }
0x33: {  	p0 =	seq.s32 s10, $0x1;
	s10 =	sld [smem:$0x3FBA];
	_ =	sdelay $0x3  }
0x34: {  	[smem:$0x3FBA] =	sst s10  }
0x35: {  	s10 =	sld [smem:$0x3FB9];
	_ =	sdelay $0x3  }
0x36: {  	p1 =	seq.s32 s10, $0x1;
	s10 =	sld [smem:$0x3FBA];
	_ =	sdelay $0x3  }
0x37: {  	[smem:$0x3FBA] =	sst s10  }
0x38: {  	s10 =	sld [smem:$0x3FBB]  }
0x39: {  	_ = 	snop;
	(pc) =	sbr.ind lr, $3  }
0x3a: {  	_ = 	snop  }
0x3b: {  	_ = 	snop  }
0x3c: {  	p2 =	seq.s32 s10, $0x1;
	s10 =	sld [smem:$0x3FBA]  }
0x3d: {  	_ =	shalt  }
0x3e: {  	_ =	shalt  }
0x3f: {  	_ =	shalt  }
0x40: {  	_ =	shalt  }
0x41: {  	_ =	shalt  }
0x42: {  	_ =	shalt  }
0x43: {  	_ =	shalt  }
0x44: {  	_ =	shalt  }
0x45: {  	_ =	shalt  }
0x46: {  	_ =	shalt  }
0x47: {  	_ =	shalt  }
0x48: {  	_ =	shalt  }
0x49: {  	_ =	shalt  }
0x4a: {  	_ =	shalt  }
0x4b: {  	_ =	shalt  }
0x4c: {  	_ =	shalt  }
0x4d: {  	_ =	shalt  }
0x4e: {  	_ =	shalt  }
0x4f: {  	_ =	shalt  }
0x50: {  	_ =	shalt  }
0x51: {  	_ =	shalt  }
0x52: {  	_ =	shalt  }
0x53: {  	_ =	shalt  }
0x54: {  	_ =	shalt  }
0x55: {  	_ =	shalt  }
0x56: {  	_ =	shalt  }
0x57: {  	_ =	shalt  }
0x58: {  	_ =	shalt  }
0x59: {  	_ =	shalt  }
0x5a: {  	_ =	shalt  }
0x5b: {  	_ =	shalt  }
0x5c: {  	_ =	shalt  }
0x5d: {  	_ =	shalt  }
0x5e: {  	_ =	shalt  }
0x5f: {  	_ =	shalt  }
0x60: {  	_ =	shalt  }
0x61: {  	_ =	shalt  }
0x62: {  	_ =	shalt  }
0x63: {  	_ =	shalt  }
0x64: {  	_ =	shalt  }
0x65: {  	_ =	shalt  }
0x66: {  	_ =	shalt  }
0x67: {  	_ =	shalt  }
0x68: {  	_ =	shalt  }
0x69: {  	_ =	shalt  }
0x6a: {  	_ =	shalt  }
0x6b: {  	_ =	shalt  }
0x6c: {  	_ =	shalt  }
0x6d: {  	_ =	shalt  }
0x6e: {  	_ =	shalt  }
0x6f: {  	_ =	shalt  }
0x70: {  	_ =	shalt  }
0x71: {  	_ =	shalt  }
0x72: {  	_ =	shalt  }
0x73: {  	_ =	shalt  }
0x74: {  	_ =	shalt  }
0x75: {  	_ =	shalt  }
0x76: {  	_ =	shalt  }
0x77: {  	_ =	shalt  }
0x78: {  	_ =	shalt  }
0x79: {  	_ =	shalt  }
0x7a: {  	_ =	shalt  }
0x7b: {  	_ =	shalt  }
0x7c: {  	_ =	shalt  }
0x7d: {  	_ =	shalt  }
0x7e: {  	_ =	shalt  }
0x7f: {  	_ =	shalt  }
0x80: {  	_ =	shalt  }
0x81: {  	_ =	shalt  }
0x82: {  	_ =	shalt  }
0x83: {  	_ =	shalt  }
0x84: {  	_ =	shalt  }
0x85: {  	_ =	shalt  }
0x86: {  	_ =	shalt  }
0x87: {  	_ =	shalt  }
.Lfunc_end0:
.L_simem_size_0:
called_computation_lowered:
.L_overlay_start_0:
0x88: {  	s2 =	sld [smem:$0x3FD9]  }
0x89: {  	s3 =	sld [smem:$0x3FFE];
	_ =	sdelay $0x1  }
0x8a: {  	s1 =	srdreg.scid  }
0x8b: {  	s0 =	sand.u32 $0x1, s1  }
0x8c: {  	s17 =	sshll.u32 s0, $0xA;
	s2 =	sadd.s32 s3, s2  }
0x8d: {  	s2 =	sadd.s32 s2, s17  }
0x8e: {  	[smem:$0x3FC6] =	sst s2  }
0x8f: {  	_ = 	snop  }
0x90: {  	s2 =	sld [smem:$0x3FC9]  }
0x91: {  	s18 =	sld [smem:$0x3FC8]  }
0x92: {  	s4 =	sld [smem:$0x3FD0];
	(tm) =	ssettm $0x1  }
0x93: {  	s5 =	sld [smem:$0x3FFB];
	_ =	sdelay $0x3  }
0x94: {  	_ =	strace s5  }
0x95: {  	s5 =	sld [smem:$0x3FFC];
	_ =	sdelay $0x3  }
0x96: {  	_ =	strace s5  }
0x97: {  	s5 =	sld [smem:$0x3FFD];
	_ =	sdelay $0x3  }
0x98: {  	_ =	strace s5  }
0x99: {  	_ =	strace $0x8FFFFFFF  }
0x9a: {  	s19 =	sld [smem:$0x3FDB];
	_ =	sdelay $0x1  }
0x9b: {  	s6 =	simm.s32 $_scs_section_size  }
0x9c: {  	s7 =	simm.s32 $_size__tile_overlayer_lowered;
	s8 =	simm.s32 $_tile_overlayer_lowered  }
0x9d: {  	s22 =	simm.s32 $0x1BFF;
	s21 =	sshll.u32 s8, $0x1;
	s5 =	sadd.s32 s6, s19  }
0x9e: {  	s9 =	simm.s32 $0x0;
	s20 =	sshll.u32 s7, $0x1;
	s7 =	sadd.s32 s21, s5  }
0x9f: {  	[timem:s9], [sflag:s22] =	dma.local [hbm:s7], s20  }
0xa0: {  	_ =	swait.ge [sflag:s22], s20  }
0xa1: {  	s6 =	ssub.s32 $0x0, s20;
	[sflag:s22] =	ssyncset.done $0x0  }
0xa2: {  	[sflag:s22] =	ssyncadd.s32 s6;
	_ =	sdelay $0x1  }
0xa3: {  	s23 =	simm.s32 $0x1B8B  }
0xa4: {  	_ =	swait.ge [sflag:s23], $0x1  }
0xa5: {  	[sflag:s23] =	ssyncset.done $0x0  }
0xa6: {  	s25 =	simm.s32 $0x1B8E;
	s24 =	sld [smem:$0x3FFE];
	[sflag:s23] =	ssyncadd.s32 $0xFFFFFFFF  }
0xa7: {  	s26 =	simm.s32 $execute0_lowered;
	[smem:$0x3FD2] =	sst s25  }
0xa8: {  	s7 =	sshll.u32 s26, $0x1;
	_ =	strace $0x80000046;
	[dreg:$0x1] =	wrdreg $0xFFFFFFFF  }
0xa9: {  	s28 =	simm.s32 $_size_execute0_lowered;
	s5 =	sadd.s32 s5, s7;
	[dreg:$0x0] =	wrdreg $0x0  }
0xaa: {  	s7 =	sshll.u32 s28, $0x1;
	[dreg:$0x2] =	wrdreg s5  }
0xab: {  	[dreg:$0x3] =	wrdreg s7  }
0xac: {  	[dreg:$0x4] =	wrdreg $0xC0  }
0xad: {  	_ =	task [dreg:s9], $0x5FFFF  }
0xae: {  	[dreg:$0x1] =	wrdreg $0xFFFFFFFF  }
0xaf: {  	[dreg:$0x0] =	wrdreg $0x60  }
0xb0: {  	[dreg:$0x2] =	wrdreg s2  }
0xb1: {  	[dreg:$0x3] =	wrdreg s18  }
0xb2: {  	[dreg:$0x4] =	wrdreg s24  }
0xb3: {  	[dreg:$0x5] =	wrdreg s4  }
0xb4: {  	[dreg:$0x6] =	wrdreg $0xC4000  }
0xb5: {  	[dreg:$0x7] =	wrdreg $0x9  }
0xb6: {  	_ =	task.clear_ibuf [dreg:s9], $0x8FFFF;
	_ =	strace $0x90000046  }
0xb7: {  	s29 =	simm.s32 $0x9;
	_ =	strace $0x80000048  }
0xb8: {  	_ =	swait.ge [sflag:s29], $0x1  }
0xb9: {  	[sflag:s29] =	ssyncadd.s32 $0xFFFFFFFF  }
0xba: {  	_ =	strace $0x90000048  }
0xbb: {  	_ =	sfence  }
0xbc: {  	s30 =	sld [smem:$0x0];
	_ =	sdelay $0x2  }
0xbd: {  	s31 =	sshll.u32 s1, $0xD;
	s1 =	sshrl.u32 s1, $0x2  }
0xbe: {  	s3 =	sand.u32 $0x4000, s31;
	s1 =	sadd.s32 s1, s30  }
0xbf: {  	s0 =	sor.u32 s3, s0;
	s1 =	sshll.u32 s1, $0x11  }
0xc0: {  	s0 =	sor.u32 s1, s0  }
0xc1: {  	s0 =	sadd.s32 $0x8F2B, s0  }
0xc2: {  	[sflag:s0] =	ssyncadd.remote.s32 $0x1  }
0xc3: {  	_ =	sfence.sel $0xFFFF  }
0xc4: {  	[dreg:$0x0] =	wrdreg $0xFFFFFFFF;
	(pc) =	sbr.abs _section_cstart, $3  }
0xc5: {  	[dreg:$0x1] =	wrdreg $0xFFFFFFFF  }
0xc6: {  	_ =	task.clear_ibuf [dreg:s9], $0x2FFFF;
	_ =	strace $0x9FFFFFFF  }
0xc7: {  	(tm) =	ssettm $0x7FFFFFFF  }
tec
execute0_lowered:
.L_overlay_start_1:
0x0: {  	(tag) =	ssettag $0x1  }
0x1: {  	s1 =	rddreg [dreg:$0x0]  }
0x2: {  	s0 =	rddreg [dreg:$0x1]  }
0x3: {  	s2 =	rddreg [dreg:$0x2]  }
0x4: {  	s5 =	rddreg [dreg:$0x3]  }
0x5: {  	s3 =	rddreg [dreg:$0x4]  }
0x6: {  	s12 =	stileid.u32;
	s4 =	simm.s32 $0x0;
	s7 =	srdreg.scid  }
0x7: {  	s28 =	simm.s32 $0x100;
	s29 =	simm.s32 $0x8400;
	s30 =	simm.s32 $0x2  }
0x8: {  	s31 =	simm.s32 $0x280;
	s6 =	smul.u32 $0x4E000, s12;
	[smem:$0x7FF] =	sst s4  }
0x9: {  	s7 =	sand.u32 $0x1, s7;
	s2 =	sadd.s32 $0x400, s2;
	s18 =	sadd.s32 $0x128800, s3  }
0xa: {  	s20 =	sadd.s32 $0x12C800, s3;
	_ =	strace $0x80000047;
	[dreg:$0x6] =	wrdreg s2  }
0xb: {  	s22 =	sadd.s32 $0x130800, s3;
	s23 =	smul.u32 $0x13800, s12;
	[dreg:$0x9] =	wrdreg s18  }
0xc: {  	s24 =	sadd.s32 $0x134800, s3;
	s25 =	smul.u32 $0x5000, s12;
	[dreg:$0xa] =	wrdreg s20  }
0xd: {  	s13 =	sadd.s32 $0x138800, s3;
	p0 =	seq.s32 s12, $0xF;
	[dreg:$0xc] =	wrdreg s22  }
0xe: {  	s12 =	simm.s32 $0x0;
	s19 =	smul.u32 $0x50000, s7;
	[dreg:$0xe] =	wrdreg s24  }
0xf: {  	s17 =	ssub.s32 $0x2, s7;
	s7 =	smul.u32 $0x138800, s7;
	[dreg:$0xf] =	wrdreg s13  }
0x10: {  	s22 =	simm.s32 $0x7;
	s6 =	sshrl.u32 s6, $0x2;
	s9 =	sshrl.u32 s17, $0x1  }
0x11: {  	s24 =	simm.s32 $0x4400;
	s6 =	sadd.s32 s6, s3;
	s2 =	ssub.s32 s17, s9  }
0x12: {  	s9 =	sadd.s32 s23, s7;
	s7 =	sshrl.u32 s7, $0x3;
	s8 =	sadd.s32 $0x4000, s6  }
0x13: {  	s23 =	simm.s32 $0x80;
	s10 =	sadd.s32 $0x8000, s6;
	[dreg:$0x7] =	wrdreg s8  }
0x14: {  	s21 =	sadd.s32 $0xC000, s6;
	s11 =	sadd.s32 $0x10000, s6;
	[dreg:$0x8] =	wrdreg s10  }
0x15: {  	s9 =	sshrl.u32 s9, $0x3;
	s7 =	sadd.s32 s5, s7;
	[dreg:$0xb] =	wrdreg s21  }
0x16: {  	s8 =	sadd.s32 $0x124800, s3;
	[dreg:$0xd] =	wrdreg s11;
	s10 =	sadd.s32 s25, s19  }
0x17: {  	s17 =	sadd.s32 s5, s9;
	s18 =	sadd.s32 $0x24900, s7;
	s19 =	smax.u32 s2, $0x1  }
0x18: {  	s21 =	simm.s32 $0x400;
	s25 =	simm.s32 $0x1;
	s2 =	simm.s32 $0x180  }
0x19: {  	s5 =	simm.s32 $0x3;
	s7 =	simm.s32 $0x300;
	s9 =	simm.s32 $0x380  }
0x1a: {  	s11 =	simm.s32 $0x6;
	s26 =	sshrl.u32 s10, $0x3;
	s10 =	simm.s32 $0x5  }
0x1b: {  	s20 =	sadd.s32 s26, s0;
	s26 =	simm.s32 $0x200;
	s0 =	simm.s32 $0x4  }
.LBB2_1:
0x1c: {  	s13 =	rddreg [dreg:$0x6]  }
0x1d: {  	[tilespmem:s21], [sflag:$0x7] =	stream.linear.gather [hbm4b:s13+s4], $0x4000, $0x38;
	[tilespmem:$0x1FCC0] =	vst v63  }
0x1e: {  	_ =	swait.ge [sflag:s22], $0x4000  }
0x1f: {  	[sflag:s22] =	ssyncset.done $0x0  }
0x20: {  	s14 =	simm.s32 @p0 $0x7;
	s13 =	simm.s32 @p0 $0x400;
	[sflag:s22] =	ssyncadd.s32 $0xFFFFC000  }
0x21: {  	[spmem:s8] =	stream.linear.scatter @p0 [tilespmem:s13], [sflag:$0x7], $0x4000, $0x38;
	[tilespmem:$0x1FCC0] =	vst v63  }
0x22: {  	_ =	swait.ge @p0 [sflag:s14], $0x4000  }
0x23: {  	[sflag:s14] =	ssyncset.done @p0 $0x0  }
0x24: {  	s15 =	rddreg [dreg:$0x9];
	[sflag:s14] =	ssyncadd.s32 @p0 $0xFFFFC000  }
0x25: {  	[spmem:s15] =	stream.linear.scatter @p0 [tilespmem:s13], [sflag:$0x7], $0x4000, $0x38;
	[tilespmem:$0x1FCC0] =	vst v63  }
0x26: {  	_ =	swait.ge @p0 [sflag:s14], $0x4000  }
0x27: {  	[sflag:s14] =	ssyncset.done @p0 $0x0  }
0x28: {  	s15 =	rddreg [dreg:$0xa];
	[sflag:s14] =	ssyncadd.s32 @p0 $0xFFFFC000  }
0x29: {  	[spmem:s15] =	stream.linear.scatter @p0 [tilespmem:s13], [sflag:$0x7], $0x4000, $0x38;
	[tilespmem:$0x1FCC0] =	vst v63  }
0x2a: {  	_ =	swait.ge @p0 [sflag:s14], $0x4000  }
0x2b: {  	[sflag:s14] =	ssyncset.done @p0 $0x0  }
0x2c: {  	s15 =	rddreg [dreg:$0xc];
	[sflag:s14] =	ssyncadd.s32 @p0 $0xFFFFC000  }
0x2d: {  	[spmem:s15] =	stream.linear.scatter @p0 [tilespmem:s13], [sflag:$0x7], $0x4000, $0x38;
	[tilespmem:$0x1FCC0] =	vst v63  }
0x2e: {  	_ =	swait.ge @p0 [sflag:s14], $0x4000  }
0x2f: {  	[sflag:s14] =	ssyncset.done @p0 $0x0  }
0x30: {  	s15 =	rddreg [dreg:$0xe];
	[sflag:s14] =	ssyncadd.s32 @p0 $0xFFFFC000  }
0x31: {  	[spmem:s15] =	stream.linear.scatter @p0 [tilespmem:s13], [sflag:$0x7], $0x4000, $0x38;
	[tilespmem:$0x1FCC0] =	vst v63  }
0x32: {  	_ =	swait.ge @p0 [sflag:s14], $0x4000  }
0x33: {  	[sflag:s14] =	ssyncset.done @p0 $0x0  }
0x34: {  	s15 =	rddreg [dreg:$0xf];
	[sflag:s14] =	ssyncadd.s32 @p0 $0xFFFFC000  }
0x35: {  	[spmem:s15] =	stream.linear.scatter @p0 [tilespmem:s13], [sflag:$0x7], $0x400, $0x38;
	[tilespmem:$0x1FCC0] =	vst v63  }
0x36: {  	_ =	swait.ge @p0 [sflag:s14], $0x400  }
0x37: {  	[sflag:s14] =	ssyncset.done @p0 $0x0  }
0x38: {  	s13 =	simm.s32 @!p0 $0x400;
	[sflag:s14] =	ssyncadd.s32 @p0 $0xFFFFFC00;
	s14 =	simm.s32 @!p0 $0x7  }
0x39: {  	[spmem:s6] =	stream.linear.scatter @!p0 [tilespmem:s13], [sflag:$0x7], $0x4000, $0x38;
	[tilespmem:$0x1FCC0] =	vst v63  }
0x3a: {  	_ =	swait.ge @!p0 [sflag:s14], $0x4000  }
0x3b: {  	[sflag:s14] =	ssyncset.done @!p0 $0x0  }
0x3c: {  	s15 =	rddreg [dreg:$0x7];
	[sflag:s14] =	ssyncadd.s32 @!p0 $0xFFFFC000  }
0x3d: {  	[spmem:s15] =	stream.linear.scatter @!p0 [tilespmem:s13], [sflag:$0x7], $0x4000, $0x38;
	[tilespmem:$0x1FCC0] =	vst v63  }
0x3e: {  	_ =	swait.ge @!p0 [sflag:s14], $0x4000  }
0x3f: {  	[sflag:s14] =	ssyncset.done @!p0 $0x0  }
0x40: {  	s15 =	rddreg [dreg:$0x8];
	[sflag:s14] =	ssyncadd.s32 @!p0 $0xFFFFC000  }
0x41: {  	[spmem:s15] =	stream.linear.scatter @!p0 [tilespmem:s13], [sflag:$0x7], $0x4000, $0x38;
	[tilespmem:$0x1FCC0] =	vst v63  }
0x42: {  	_ =	swait.ge @!p0 [sflag:s14], $0x4000  }
0x43: {  	[sflag:s14] =	ssyncset.done @!p0 $0x0  }
0x44: {  	s15 =	rddreg [dreg:$0xb];
	[sflag:s14] =	ssyncadd.s32 @!p0 $0xFFFFC000  }
0x45: {  	[spmem:s15] =	stream.linear.scatter @!p0 [tilespmem:s13], [sflag:$0x7], $0x4000, $0x38;
	[tilespmem:$0x1FCC0] =	vst v63  }
0x46: {  	_ =	swait.ge @!p0 [sflag:s14], $0x4000  }
0x47: {  	[sflag:s14] =	ssyncset.done @!p0 $0x0  }
0x48: {  	s15 =	rddreg [dreg:$0xd];
	[sflag:s14] =	ssyncadd.s32 @!p0 $0xFFFFC000  }
0x49: {  	[spmem:s15] =	stream.linear.scatter @!p0 [tilespmem:s13], [sflag:$0x7], $0x3800, $0x38;
	[tilespmem:$0x1FCC0] =	vst v63  }
0x4a: {  	_ =	swait.ge @!p0 [sflag:s14], $0x3800  }
0x4b: {  	[sflag:s14] =	ssyncset.done @!p0 $0x0  }
0x4c: {  	[sflag:s14] =	ssyncadd.s32 @!p0 $0xFFFFC800  }
0x4d: {  	s16 =	sadd.s32 $0x0, s20;
	[bflag:$0x0] =	sbarrier.arrive $0xFFFF  }
0x4e: {  	[tilespmem:s4], [sflag:$0x7] =	stream.linear.gather [hbm4b:s16+s4], $0x400, $0x38;
	[tilespmem:$0x1FCC0] =	vst v63  }
0x4f: {  	_ =	swait.ge [sflag:s22], $0x400  }
0x50: {  	[sflag:s22] =	ssyncset.done $0x0  }
0x51: {  	[sflag:s22] =	ssyncadd.s32 $0xFFFFFC00  }
0x52: {  	[tilespmem:s21], [sflag:$0x1] =	stream.indirect.gather [hbm4b:s1+s23], $0x80, s4, s23, $0xb8;
	[tilespmem:$0x1FCC0] =	vst v63  }
0x53: {  	_ = 	snop  }
0x54: {  	[tilespmem:s24], [sflag:$0x2] =	stream.indirect.gather [hbm4b:s1+s23], $0x80, s23, s23, $0xb8;
	[tilespmem:$0x1FCC0] =	vst v63  }
0x55: {  	_ =	swait.ge [sflag:s25], $0x4000  }
0x56: {  	[sflag:s25] =	ssyncset.done $0x0  }
0x57: {  	[sflag:s25] =	ssyncadd.s32 $0xFFFFC000  }
0x58: {  	[spmem:s3] =	stream.indirect.scatter.add.f32 [tilespmem:s21], [sflag:$0x4], $0x80, s26, s23, $0xb8;
	[tilespmem:$0x1FCC0] =	vst v63  }
0x59: {  	_ = 	snop  }
0x5a: {  	[tilespmem:s29], [sflag:$0x3] =	stream.indirect.gather [hbm4b:s1+s23], $0x80, s28, s23, $0xb8;
	[tilespmem:$0x1FCC0] =	vst v63  }
0x5b: {  	_ =	swait.ge [sflag:s30], $0x4000  }
0x5c: {  	[sflag:s30] =	ssyncset.done $0x0  }
0x5d: {  	[sflag:s30] =	ssyncadd.s32 $0xFFFFC000  }
0x5e: {  	[spmem:s3] =	stream.indirect.scatter.add.f32 [tilespmem:s24], [sflag:$0x5], $0x80, s31, s23, $0xb8;
	[tilespmem:$0x1FCC0] =	vst v63  }
0x5f: {  	_ =	swait.ge [sflag:s0], $0x4000  }
0x60: {  	[sflag:s0] =	ssyncset.done $0x0  }
0x61: {  	[sflag:s0] =	ssyncadd.s32 $0xFFFFC000  }
0x62: {  	[tilespmem:s21], [sflag:$0x1] =	stream.indirect.gather [hbm4b:s1+s23], $0x80, s2, s23, $0xb8;
	[tilespmem:$0x1FCC0] =	vst v63  }
0x63: {  	_ =	swait.ge [sflag:s5], $0x4000  }
0x64: {  	[sflag:s5] =	ssyncset.done $0x0  }
0x65: {  	[sflag:s5] =	ssyncadd.s32 $0xFFFFC000  }
0x66: {  	[spmem:s3] =	stream.indirect.scatter.add.f32 [tilespmem:s29], [sflag:$0x6], $0x80, s7, s23, $0xb8;
	[tilespmem:$0x1FCC0] =	vst v63  }
0x67: {  	_ =	swait.ge [sflag:s25], $0x4000  }
0x68: {  	[sflag:s25] =	ssyncset.done $0x0  }
0x69: {  	[sflag:s25] =	ssyncadd.s32 $0xFFFFC000  }
0x6a: {  	[spmem:s3] =	stream.indirect.scatter.add.f32 [tilespmem:s21], [sflag:$0x4], $0x80, s9, s23, $0xb8;
	[tilespmem:$0x1FCC0] =	vst v63  }
0x6b: {  	_ =	swait.ge [sflag:s10], $0x4000  }
0x6c: {  	[sflag:s10] =	ssyncset.done $0x0  }
0x6d: {  	[sflag:s10] =	ssyncadd.s32 $0xFFFFC000  }
0x6e: {  	_ =	swait.ge [sflag:s11], $0x4000  }
0x6f: {  	[sflag:s11] =	ssyncset.done $0x0  }
0x70: {  	[sflag:s11] =	ssyncadd.s32 $0xFFFFC000  }
0x71: {  	_ =	swait.ge [sflag:s0], $0x4000  }
0x72: {  	s13 =	simm.s32 $0x80;
	s14 =	simm.s32 $0x100;
	[sflag:s0] =	ssyncset.done $0x0  }
.LBB2_2:
0x73: {  	s16 =	sadd.s32 s13, s20  }
0x74: {  	[sflag:s0] =	ssyncadd.s32 $0xFFFFC000;
	s13 =	smov.u32 s14;
	s15 =	sadd.s32 $0x80, s14  }
0x75: {  	[tilespmem:s4], [sflag:$0x7] =	stream.linear.gather [hbm4b:s16+s4], $0x400, $0x38;
	[tilespmem:$0x1FCC0] =	vst v63  }
0x76: {  	p1 =	sne.s32 s14, $0x980;
	_ =	swait.ge [sflag:s22], $0x400  }
0x77: {  	[sflag:s22] =	ssyncset.done $0x0  }
0x78: {  	[sflag:s22] =	ssyncadd.s32 $0xFFFFFC00  }
0x79: {  	[tilespmem:s21], [sflag:$0x1] =	stream.indirect.gather [hbm4b:s1+s23], $0x80, s4, s23, $0xb8;
	[tilespmem:$0x1FCC0] =	vst v63  }
0x7a: {  	_ = 	snop  }
0x7b: {  	[tilespmem:s24], [sflag:$0x2] =	stream.indirect.gather [hbm4b:s1+s23], $0x80, s23, s23, $0xb8;
	[tilespmem:$0x1FCC0] =	vst v63  }
0x7c: {  	_ =	swait.ge [sflag:s25], $0x4000  }
0x7d: {  	[sflag:s25] =	ssyncset.done $0x0  }
0x7e: {  	[sflag:s25] =	ssyncadd.s32 $0xFFFFC000  }
0x7f: {  	[spmem:s3] =	stream.indirect.scatter.add.f32 [tilespmem:s21], [sflag:$0x4], $0x80, s26, s23, $0xb8;
	[tilespmem:$0x1FCC0] =	vst v63  }
0x80: {  	_ = 	snop  }
0x81: {  	[tilespmem:s29], [sflag:$0x3] =	stream.indirect.gather [hbm4b:s1+s23], $0x80, s28, s23, $0xb8;
	[tilespmem:$0x1FCC0] =	vst v63  }
0x82: {  	_ =	swait.ge [sflag:s30], $0x4000  }
0x83: {  	[sflag:s30] =	ssyncset.done $0x0  }
0x84: {  	[sflag:s30] =	ssyncadd.s32 $0xFFFFC000  }
0x85: {  	[spmem:s3] =	stream.indirect.scatter.add.f32 [tilespmem:s24], [sflag:$0x5], $0x80, s31, s23, $0xb8;
	[tilespmem:$0x1FCC0] =	vst v63  }
0x86: {  	_ =	swait.ge [sflag:s0], $0x4000  }
0x87: {  	[sflag:s0] =	ssyncset.done $0x0  }
0x88: {  	[sflag:s0] =	ssyncadd.s32 $0xFFFFC000  }
0x89: {  	[tilespmem:s21], [sflag:$0x1] =	stream.indirect.gather [hbm4b:s1+s23], $0x80, s2, s23, $0xb8;
	[tilespmem:$0x1FCC0] =	vst v63  }
0x8a: {  	_ =	swait.ge [sflag:s5], $0x4000  }
0x8b: {  	[sflag:s5] =	ssyncset.done $0x0  }
0x8c: {  	[sflag:s5] =	ssyncadd.s32 $0xFFFFC000  }
0x8d: {  	[spmem:s3] =	stream.indirect.scatter.add.f32 [tilespmem:s29], [sflag:$0x6], $0x80, s7, s23, $0xb8;
	[tilespmem:$0x1FCC0] =	vst v63  }
0x8e: {  	_ =	swait.ge [sflag:s25], $0x4000  }
0x8f: {  	[sflag:s25] =	ssyncset.done $0x0  }
0x90: {  	[sflag:s25] =	ssyncadd.s32 $0xFFFFC000  }
0x91: {  	[spmem:s3] =	stream.indirect.scatter.add.f32 [tilespmem:s21], [sflag:$0x4], $0x80, s9, s23, $0xb8;
	[tilespmem:$0x1FCC0] =	vst v63  }
0x92: {  	_ =	swait.ge [sflag:s10], $0x4000  }
0x93: {  	[sflag:s10] =	ssyncset.done $0x0  }
0x94: {  	[sflag:s10] =	ssyncadd.s32 $0xFFFFC000  }
.Ltmp0:
0x95: {  	_ =	swait.ge [sflag:s11], $0x4000;
	(pc) =	sbr.rel @p1 .LBB2_2-.Ltmp0, $4  }
0x96: {  	[sflag:s11] =	ssyncset.done $0x0  }
0x97: {  	[sflag:s11] =	ssyncadd.s32 $0xFFFFC000  }
0x98: {  	_ =	swait.ge [sflag:s0], $0x4000  }
0x99: {  	s14 =	smov.u32 s15;
	[sflag:s0] =	ssyncset.done $0x0  }
0x9a: {  	s13 =	sadd.s32 s13, s20;
	[sflag:s0] =	ssyncadd.s32 $0xFFFFC000  }
0x9b: {  	[tilespmem:s4], [sflag:$0x7] =	stream.linear.gather [hbm4b:s13+s4], $0x400, $0x38;
	[tilespmem:$0x1FCC0] =	vst v63  }
0x9c: {  	_ =	swait.ge [sflag:s22], $0x400  }
0x9d: {  	[sflag:s22] =	ssyncset.done $0x0  }
0x9e: {  	[sflag:s22] =	ssyncadd.s32 $0xFFFFFC00  }
0x9f: {  	[tilespmem:s21], [sflag:$0x1] =	stream.indirect.gather [hbm4b:s1+s23], $0x80, s4, s23, $0xb8;
	[tilespmem:$0x1FCC0] =	vst v63  }
0xa0: {  	_ = 	snop  }
0xa1: {  	[tilespmem:s24], [sflag:$0x2] =	stream.indirect.gather [hbm4b:s1+s23], $0x80, s23, s23, $0xb8;
	[tilespmem:$0x1FCC0] =	vst v63  }
0xa2: {  	_ =	swait.ge [sflag:s25], $0x4000  }
0xa3: {  	[sflag:s25] =	ssyncset.done $0x0  }
0xa4: {  	[sflag:s25] =	ssyncadd.s32 $0xFFFFC000  }
0xa5: {  	[spmem:s3] =	stream.indirect.scatter.add.f32 [tilespmem:s21], [sflag:$0x4], $0x80, s26, s23, $0xb8;
	[tilespmem:$0x1FCC0] =	vst v63  }
0xa6: {  	_ = 	snop  }
0xa7: {  	[tilespmem:s29], [sflag:$0x3] =	stream.indirect.gather [hbm4b:s1+s23], $0x80, s28, s23, $0xb8;
	[tilespmem:$0x1FCC0] =	vst v63  }
0xa8: {  	_ =	swait.ge [sflag:s30], $0x4000  }
0xa9: {  	[sflag:s30] =	ssyncset.done $0x0  }
0xaa: {  	[sflag:s30] =	ssyncadd.s32 $0xFFFFC000  }
0xab: {  	[spmem:s3] =	stream.indirect.scatter.add.f32 [tilespmem:s24], [sflag:$0x5], $0x80, s31, s23, $0xb8;
	[tilespmem:$0x1FCC0] =	vst v63  }
0xac: {  	_ =	swait.ge [sflag:s0], $0x4000  }
0xad: {  	[sflag:s0] =	ssyncset.done $0x0  }
0xae: {  	[sflag:s0] =	ssyncadd.s32 $0xFFFFC000  }
0xaf: {  	[tilespmem:s21], [sflag:$0x1] =	stream.indirect.gather [hbm4b:s1+s23], $0x80, s2, s23, $0xb8;
	[tilespmem:$0x1FCC0] =	vst v63  }
0xb0: {  	_ =	swait.ge [sflag:s5], $0x4000  }
0xb1: {  	[sflag:s5] =	ssyncset.done $0x0  }
0xb2: {  	[sflag:s5] =	ssyncadd.s32 $0xFFFFC000  }
0xb3: {  	[spmem:s3] =	stream.indirect.scatter.add.f32 [tilespmem:s29], [sflag:$0x6], $0x80, s7, s23, $0xb8;
	[tilespmem:$0x1FCC0] =	vst v63  }
0xb4: {  	_ =	swait.ge [sflag:s25], $0x4000  }
0xb5: {  	[sflag:s25] =	ssyncset.done $0x0  }
0xb6: {  	[sflag:s25] =	ssyncadd.s32 $0xFFFFC000  }
0xb7: {  	[spmem:s3] =	stream.indirect.scatter.add.f32 [tilespmem:s21], [sflag:$0x4], $0x80, s9, s23, $0xb8;
	[tilespmem:$0x1FCC0] =	vst v63  }
0xb8: {  	_ =	swait.ge [sflag:s10], $0x4000  }
0xb9: {  	[sflag:s10] =	ssyncset.done $0x0  }
0xba: {  	[sflag:s10] =	ssyncadd.s32 $0xFFFFC000  }
0xbb: {  	_ =	swait.ge [sflag:s11], $0x4000  }
0xbc: {  	[sflag:s11] =	ssyncset.done $0x0  }
0xbd: {  	[sflag:s11] =	ssyncadd.s32 $0xFFFFC000  }
0xbe: {  	_ =	swait.ge [sflag:s0], $0x4000  }
0xbf: {  	[sflag:s0] =	ssyncset.done $0x0  }
0xc0: {  	[sflag:s0] =	ssyncadd.s32 $0xFFFFC000  }
0xc1: {  	s14 =	simm.s32 @p0 $0x1FC7;
	s13 =	sshrl.u32 @p0 s8, $0x3;
	[bflag:$0x0] =	sbarrier.arrive $0xFFFF  }
0xc2: {  	[hbm:s18], [sflag:s14] =	dma.local @p0 [spmem:s13], $0x2800  }
0xc3: {  	s13 =	simm.s32 @p0 $0x7  }
0xc4: {  	s12 =	sadd.s32 $0x1, s12;
	s14 =	stileid.u32;
	_ =	swait.ge @p0 [sflag:s13], $0x2800  }
0xc5: {  	p1 =	sne.s32 s12, s19;
	s14 =	sshll.u32 @!p0 s14, $0x6;
	[sflag:s13] =	ssyncset.done @p0 $0x0  }
0xc6: {  	[sflag:s13] =	ssyncadd.s32 @p0 $0xFFFFD800;
	s13 =	sor.u32 @!p0 $0x1C07, s14;
	s14 =	sshrl.u32 @!p0 s6, $0x3  }
0xc7: {  	[hbm:s17], [sflag:s13] =	dma.local @!p0 [spmem:s14], $0x2700  }
.Ltmp1:
0xc8: {  	_ = 	snop;
	(pc) =	sbr.rel @p1 .LBB2_1-.Ltmp1, $4  }
0xc9: {  	s13 =	simm.s32 @!p0 $0x7  }
0xca: {  	_ =	swait.ge @!p0 [sflag:s13], $0x2700  }
0xcb: {  	[sflag:s13] =	ssyncset.done @!p0 $0x0  }
0xcc: {  	[sflag:s13] =	ssyncadd.s32 @!p0 $0xFFFFD900  }
0xcd: {  	_ =	sfence.sel $0x180000  }
0xce: {  	[bflag:$0x0] =	sbarrier.arrive $0xFFFF  }
0xcf: {  	_ =	strace $0x90000047  }
0xd0: {  	s0 =	stileid.u32;
	[bflag:$0x2] =	sbarrier.arrive $0xFFFF  }
0xd1: {  	p0 =	sne.s32 s0, $0x0;
	s0 =	rddreg [dreg:$0x5]  }
0xd2: {  	s0 =	sadd.s32 @!p0 $0x100000, s0  }
0xd3: {  	[sflag:s0] =	ssyncadd.tile.s32 @!p0 $0x1;
	_ =	shalt  }
.Lfunc_end2:
_tile_overlayer_lowered:
.L_overlay_start_2:
0xd4: {  	(tag) =	ssettag $0x2  }
0xd5: {  	s0 =	rddreg [dreg:$0x0];
	s2 =	stileid.u32  }
0xd6: {  	s1 =	rddreg [dreg:$0x1];
	p0 =	sne.s32 s2, $0x0  }
0xd7: {  	s3 =	rddreg [dreg:$0x2];
	[bflag:$0x3] =	sbarrier.arrive $0xFFFF;
	s2 =	simm.s32 @!p0 $0x1C07  }
0xd8: {  	[timem:s3], [sflag:s2] =	dma.local @!p0 [hbm:s0], s1  }
0xd9: {  	s0 =	simm.s32 @!p0 $0x7  }
0xda: {  	_ =	swait.ge @!p0 [sflag:s0], s1  }
0xdb: {  	s1 =	ssub.s32 @!p0 $0x0, s1;
	[sflag:s0] =	ssyncset.done @!p0 $0x0  }
0xdc: {  	[sflag:s0] =	ssyncadd.s32 @!p0 s1  }
0xdd: {  	[bflag:$0x3] =	sbarrier.arrive $0xFFFF  }
0xde: {  	_ =	shalt  }

</sc_bundles>
